<compile_context>
chip_gen: v7x
topology: tpu7x:2x2x1
jax: 0.10.2.dev20260603
libtpu: 0.0.44.dev20260713+nightly
codegen_flags: <defaults>
</compile_context>

<pallas_src>
import functools

import jax
import jax.numpy as jnp
from jax import lax
from jax.experimental import pallas as pl
from jax.experimental.pallas import tpu as pltpu
from jax.experimental.pallas import tpu_sc as plsc

LATENT = 128
IDX_CHUNK = 128


@functools.partial(jax.jit, static_argnums=())
def _sc_gather(task_table, cancer_table, task_id, cancer_id):
    B = task_id.shape[0]
    D = task_table.shape[1]
    info = plsc.get_sparse_core_info()
    nw = info.num_cores * info.num_subcores
    b_per_w = B // nw
    n_chunk = b_per_w // IDX_CHUNK

    n_total = 2 * n_chunk
    NBUF = 3

    mesh = plsc.VectorSubcoreMesh(core_axis_name="c", subcore_axis_name="s")

    @functools.partial(
        pl.kernel,
        mesh=mesh,
        out_type=[
            jax.ShapeDtypeStruct((B, D), jnp.float32),
            jax.ShapeDtypeStruct((B, D), jnp.float32),
        ],
        scratch_types=[
            pltpu.VMEM((b_per_w,), jnp.int32),
            pltpu.VMEM((b_per_w,), jnp.int32),
            pltpu.VMEM((NBUF, IDX_CHUNK, D), jnp.float32),
            pltpu.SemaphoreType.DMA((NBUF,)),
            pltpu.SemaphoreType.DMA((NBUF,)),
            pltpu.SemaphoreType.DMA,
        ],
    )
    def gather2(t_tab, c_tab, t_idx, c_idx, t_out, c_out, tid_v, cid_v, rows_v,
                sem_g, sem_o, sem_i):
        wid = lax.axis_index("s") * info.num_cores + lax.axis_index("c")
        base = wid * b_per_w
        icp1 = pltpu.async_copy(t_idx.at[pl.ds(base, b_per_w)], tid_v, sem_i)
        icp2 = pltpu.async_copy(c_idx.at[pl.ds(base, b_per_w)], cid_v, sem_i)
        icp1.wait()
        icp2.wait()

        def start_gather(c):
            tab = t_tab if c < n_chunk else c_tab
            idx_v = tid_v if c < n_chunk else cid_v
            j = c % n_chunk
            return pltpu.async_copy(
                tab.at[idx_v.at[pl.ds(j * IDX_CHUNK, IDX_CHUNK)]],
                rows_v.at[c % NBUF],
                sem_g.at[c % NBUF],
            )

        def start_out(c):
            out = t_out if c < n_chunk else c_out
            j = c % n_chunk
            return pltpu.async_copy(
                rows_v.at[c % NBUF],
                out.at[pl.ds(base + j * IDX_CHUNK, IDX_CHUNK)],
                sem_o.at[c % NBUF],
            )

        gcp = [None] * n_total
        ocp = [None] * n_total
        gcp[0] = start_gather(0)
        for c in range(n_total):
            if c + 1 < n_total:
                if c + 1 >= NBUF:
                    ocp[c + 1 - NBUF].wait()
                gcp[c + 1] = start_gather(c + 1)
            gcp[c].wait()
            ocp[c] = start_out(c)
        for c in range(n_total - NBUF, n_total):
            ocp[c].wait()

    return gather2(task_table, cancer_table, task_id, cancer_id)


def _tc_project(te, ce, W1, W2, b2d):
    B = te.shape[0]
    BB = 8192

    def body(te_ref, ce_ref, w1_ref, w2_ref, b_ref, o_ref):
        acc = lax.dot_general(
            te_ref[...], w1_ref[...], (((1,), (1,)), ((), ())),
            preferred_element_type=jnp.float32,
        )
        acc += lax.dot_general(
            ce_ref[...], w2_ref[...], (((1,), (1,)), ((), ())),
            preferred_element_type=jnp.float32,
        )
        o_ref[...] = acc + b_ref[...]

    return pl.pallas_call(
        body,
        grid=(B // BB,),
        in_specs=[
            pl.BlockSpec((BB, LATENT), lambda i: (i, 0)),
            pl.BlockSpec((BB, LATENT), lambda i: (i, 0)),
            pl.BlockSpec((LATENT, LATENT), lambda i: (0, 0)),
            pl.BlockSpec((LATENT, LATENT), lambda i: (0, 1)),
            pl.BlockSpec((1, LATENT), lambda i: (0, 0)),
        ],
        out_specs=pl.BlockSpec((BB, LATENT), lambda i: (i, 0)),
        out_shape=jax.ShapeDtypeStruct((B, LATENT), jnp.float32),
    )(te, ce, W1, W2, b2d)


def kernel(task_id, cancer_id, task_table, cancer_table, W, b):
    te, ce = _sc_gather(task_table, cancer_table, task_id, cancer_id)
    return _tc_project(te, ce, W, W, b.reshape(1, LATENT))

# --- scband reference (transcript-rebuilt; emitter-appended) ---
"""Pipeline reference for scband-embedding-conditioner-72593537237706 (READ-ONLY COPY).

The authoritative reference and input builder live on the scoring server;
editing this copy changes nothing except your own understanding.
"""

import jax, jax.numpy as jnp
import numpy as np

NUM_MODALITIES = 1000
NUM_CANCER_TYPES = 100000
LATENT_DIM = 128
BATCH = 16384


def setup_inputs(seed: int = 0) -> dict:
    key = jax.random.key(seed)
    k1, k2, k3, k4, k5, k6 = jax.random.split(key, 6)
    task_id = jax.random.randint(k1, (BATCH,), 0, NUM_MODALITIES, dtype=jnp.int64 if jax.config.jax_enable_x64 else jnp.int32)
    cancer_id = jax.random.randint(k2, (BATCH,), 0, NUM_CANCER_TYPES, dtype=jnp.int64 if jax.config.jax_enable_x64 else jnp.int32)
    task_table = jax.random.normal(k3, (NUM_MODALITIES, LATENT_DIM), dtype=jnp.float32)
    cancer_table = jax.random.normal(k4, (NUM_CANCER_TYPES, LATENT_DIM), dtype=jnp.float32)
    # nn.Linear(latent_dim*2, latent_dim): weight [out, in] = [128, 256]
    bound = 1.0 / np.sqrt(LATENT_DIM * 2)
    W = jax.random.uniform(k5, (LATENT_DIM, LATENT_DIM * 2), dtype=jnp.float32, minval=-bound, maxval=bound)
    b = jax.random.uniform(k6, (LATENT_DIM,), dtype=jnp.float32, minval=-bound, maxval=bound)
    return {"task_id": task_id, "cancer_id": cancer_id, "task_table": task_table, "cancer_table": cancer_table, "W": W, "b": b}


def reference(task_id, cancer_id, task_table, cancer_table, W, b):
    task_embed = jnp.take(task_table, task_id, axis=0)
    cancer_embed = jnp.take(cancer_table, cancer_id, axis=0)
    concat = jnp.concatenate([task_embed, cancer_embed], axis=-1)
    return concat @ W.T + b

if __name__ == "__main__":
    import jax
    _d = setup_inputs()
    print(jax.jit(kernel)(*tuple(_d.values())))

</pallas_src>

<mosaic_0001>
#map = affine_map<(d0, d1) -> (0, 0)>
#map1 = affine_map<(d0, d1) -> (0)>
module attributes {stable_mosaic.version = 14 : i64} {
  func.func @gather2(%arg0: i32, %arg1: i32, %arg2: memref<1000x128xf32, #tpu.memory_space<hbm>>, %arg3: memref<100000x128xf32, #tpu.memory_space<hbm>>, %arg4: memref<16384xi32, #tpu.memory_space<hbm>>, %arg5: memref<16384xi32, #tpu.memory_space<hbm>>, %arg6: memref<16384x128xf32, #tpu.memory_space<hbm>>, %arg7: memref<16384x128xf32, #tpu.memory_space<hbm>>, %arg8: memref<512xi32, #tpu.memory_space<vmem>>, %arg9: memref<512xi32, #tpu.memory_space<vmem>>, %arg10: memref<3x128x128xf32, #tpu.memory_space<vmem>>, %arg11: memref<3x!tpu.dma_semaphore, #tpu.memory_space<semaphore_mem>>, %arg12: memref<3x!tpu.dma_semaphore, #tpu.memory_space<semaphore_mem>>, %arg13: memref<!tpu.dma_semaphore, #tpu.memory_space<semaphore_mem>>) attributes {dimension_semantics = [#tpu.dimension_semantics<core_parallel>, #tpu.dimension_semantics<subcore_parallel>], iteration_bounds = array<i64: 2, 16>, scalar_prefetch = 0 : i64, scratch_operands = 6 : i64, tpu.core_type = #tpu.core_type<sc_vector_subcore>, window_params = [{transform_indices = #map}, {transform_indices = #map}, {transform_indices = #map1}, {transform_indices = #map1}, {transform_indices = #map}, {transform_indices = #map}]} {
    %mul3A = arith.constant 2 : i32
    %mul3A_0 = arith.muli %arg1, %mul3A : i32
    %add3A = arith.addi %mul3A_0, %arg0 : i32
    %mul3A_1 = arith.constant 512 : i32
    %mul3A_2 = arith.muli %add3A, %mul3A_1 : i32
    %dma_start3A = tpu.memref_slice %arg4[%mul3A_2] : memref<16384xi32, #tpu.memory_space<hbm>> -> memref<512xi32, #tpu.memory_space<hbm>>
    %dma_start3A_3 = tpu.memref_slice %arg4[%mul3A_2] : memref<16384xi32, #tpu.memory_space<hbm>> -> memref<512xi32, #tpu.memory_space<hbm>>
    tpu.enqueue_dma source(%dma_start3A_3 : memref<512xi32, #tpu.memory_space<hbm>>) target(%arg8 : memref<512xi32, #tpu.memory_space<vmem>>) target_semaphore(%arg13 : memref<!tpu.dma_semaphore, #tpu.memory_space<semaphore_mem>>)
    %dma_start3A_4 = tpu.memref_slice %arg5[%mul3A_2] : memref<16384xi32, #tpu.memory_space<hbm>> -> memref<512xi32, #tpu.memory_space<hbm>>
    %dma_start3A_5 = tpu.memref_slice %arg5[%mul3A_2] : memref<16384xi32, #tpu.memory_space<hbm>> -> memref<512xi32, #tpu.memory_space<hbm>>
    tpu.enqueue_dma source(%dma_start3A_5 : memref<512xi32, #tpu.memory_space<hbm>>) target(%arg9 : memref<512xi32, #tpu.memory_space<vmem>>) target_semaphore(%arg13 : memref<!tpu.dma_semaphore, #tpu.memory_space<semaphore_mem>>)
    %dma_wait3A = tpu.memref_slice %arg4[%mul3A_2] : memref<16384xi32, #tpu.memory_space<hbm>> -> memref<512xi32, #tpu.memory_space<hbm>>
    %dma_wait3A_6 = tpu.memref_slice %arg4[%mul3A_2] : memref<16384xi32, #tpu.memory_space<hbm>> -> memref<512xi32, #tpu.memory_space<hbm>>
    tpu.wait_dma2 semaphore(%arg13 : memref<!tpu.dma_semaphore, #tpu.memory_space<semaphore_mem>>) src(%dma_wait3A_6 : memref<512xi32, #tpu.memory_space<hbm>>) dst(%arg8 : memref<512xi32, #tpu.memory_space<vmem>>)
    %dma_wait3A_7 = tpu.memref_slice %arg5[%mul3A_2] : memref<16384xi32, #tpu.memory_space<hbm>> -> memref<512xi32, #tpu.memory_space<hbm>>
    %dma_wait3A_8 = tpu.memref_slice %arg5[%mul3A_2] : memref<16384xi32, #tpu.memory_space<hbm>> -> memref<512xi32, #tpu.memory_space<hbm>>
    tpu.wait_dma2 semaphore(%arg13 : memref<!tpu.dma_semaphore, #tpu.memory_space<semaphore_mem>>) src(%dma_wait3A_8 : memref<512xi32, #tpu.memory_space<hbm>>) dst(%arg9 : memref<512xi32, #tpu.memory_space<vmem>>)
    %dma_start3A_9 = arith.constant 0 : i32
    %dma_start3A_10 = arith.constant 0 : i32
    %dma_start3A_11 = arith.constant 0 : i32
    %dma_start3A_12 = arith.constant 0 : i32
    %dma_start3A_13 = tpu.memref_slice %arg10[%dma_start3A_9, %dma_start3A_11, %dma_start3A_12] : memref<3x128x128xf32, #tpu.memory_space<vmem>> -> memref<1x128x128xf32, #tpu.memory_space<vmem>>
    %dma_start3A_14 = tpu.memref_squeeze %dma_start3A_13 : memref<1x128x128xf32, #tpu.memory_space<vmem>> -> memref<128x128xf32, #tpu.memory_space<vmem>>
    %dma_start3A_15 = arith.constant 0 : i32
    %dma_start3A_16 = tpu.memref_slice %arg8[%dma_start3A_15] : memref<512xi32, #tpu.memory_space<vmem>> -> memref<128xi32, #tpu.memory_space<vmem>>
    %dma_start3A_17 = arith.constant 0 : i32
    %dma_start3A_18 = arith.constant 0 : i32
    %dma_start3A_19 = tpu.memref_slice %arg2[%dma_start3A_17, %dma_start3A_18] : memref<1000x128xf32, #tpu.memory_space<hbm>> -> memref<1000x128xf32, #tpu.memory_space<hbm>>
    %dma_start3A_20 = tpu.memref_slice %arg11[%dma_start3A_10] : memref<3x!tpu.dma_semaphore, #tpu.memory_space<semaphore_mem>> -> memref<1x!tpu.dma_semaphore, #tpu.memory_space<semaphore_mem>>
    %dma_start3A_21 = tpu.memref_squeeze %dma_start3A_20 : memref<1x!tpu.dma_semaphore, #tpu.memory_space<semaphore_mem>> -> memref<!tpu.dma_semaphore, #tpu.memory_space<semaphore_mem>>
    tpu.enqueue_indirect_dma source(%dma_start3A_19 : memref<1000x128xf32, #tpu.memory_space<hbm>>) target(%dma_start3A_14 : memref<128x128xf32, #tpu.memory_space<vmem>>) offsets(%dma_start3A_16 : memref<128xi32, #tpu.memory_space<vmem>>) semaphore(%dma_start3A_21 : memref<!tpu.dma_semaphore, #tpu.memory_space<semaphore_mem>>)
    %dma_start3A_22 = arith.constant 1 : i32
    %dma_start3A_23 = arith.constant 1 : i32
    %dma_start3A_24 = arith.constant 0 : i32
    %dma_start3A_25 = arith.constant 0 : i32
    %dma_start3A_26 = tpu.memref_slice %arg10[%dma_start3A_22, %dma_start3A_24, %dma_start3A_25] : memref<3x128x128xf32, #tpu.memory_space<vmem>> -> memref<1x128x128xf32, #tpu.memory_space<vmem>>
    %dma_start3A_27 = tpu.memref_squeeze %dma_start3A_26 : memref<1x128x128xf32, #tpu.memory_space<vmem>> -> memref<128x128xf32, #tpu.memory_space<vmem>>
    %dma_start3A_28 = arith.constant 128 : i32
    %dma_start3A_29 = tpu.memref_slice %arg8[%dma_start3A_28] : memref<512xi32, #tpu.memory_space<vmem>> -> memref<128xi32, #tpu.memory_space<vmem>>
    %dma_start3A_30 = arith.constant 0 : i32
    %dma_start3A_31 = arith.constant 0 : i32
    %dma_start3A_32 = tpu.memref_slice %arg2[%dma_start3A_30, %dma_start3A_31] : memref<1000x128xf32, #tpu.memory_space<hbm>> -> memref<1000x128xf32, #tpu.memory_space<hbm>>
    %dma_start3A_33 = tpu.memref_slice %arg11[%dma_start3A_23] : memref<3x!tpu.dma_semaphore, #tpu.memory_space<semaphore_mem>> -> memref<1x!tpu.dma_semaphore, #tpu.memory_space<semaphore_mem>>
    %dma_start3A_34 = tpu.memref_squeeze %dma_start3A_33 : memref<1x!tpu.dma_semaphore, #tpu.memory_space<semaphore_mem>> -> memref<!tpu.dma_semaphore, #tpu.memory_space<semaphore_mem>>
    tpu.enqueue_indirect_dma source(%dma_start3A_32 : memref<1000x128xf32, #tpu.memory_space<hbm>>) target(%dma_start3A_27 : memref<128x128xf32, #tpu.memory_space<vmem>>) offsets(%dma_start3A_29 : memref<128xi32, #tpu.memory_space<vmem>>) semaphore(%dma_start3A_34 : memref<!tpu.dma_semaphore, #tpu.memory_space<semaphore_mem>>)
    %dma_wait3A_35 = arith.constant 0 : i32
    %dma_wait3A_36 = arith.constant 0 : i32
    %dma_wait3A_37 = arith.constant 0 : i32
    %dma_wait3A_38 = arith.constant 0 : i32
    %dma_wait3A_39 = tpu.memref_slice %arg10[%dma_wait3A_35, %dma_wait3A_37, %dma_wait3A_38] : memref<3x128x128xf32, #tpu.memory_space<vmem>> -> memref<1x128x128xf32, #tpu.memory_space<vmem>>
    %dma_wait3A_40 = tpu.memref_squeeze %dma_wait3A_39 : memref<1x128x128xf32, #tpu.memory_space<vmem>> -> memref<128x128xf32, #tpu.memory_space<vmem>>
    %dma_wait3A_41 = arith.constant 0 : i32
    %dma_wait3A_42 = tpu.memref_slice %arg8[%dma_wait3A_41] : memref<512xi32, #tpu.memory_space<vmem>> -> memref<128xi32, #tpu.memory_space<vmem>>
    %dma_wait3A_43 = arith.constant 0 : i32
    %dma_wait3A_44 = arith.constant 0 : i32
    %dma_wait3A_45 = tpu.memref_slice %arg2[%dma_wait3A_43, %dma_wait3A_44] : memref<1000x128xf32, #tpu.memory_space<hbm>> -> memref<1000x128xf32, #tpu.memory_space<hbm>>
    %dma_wait3A_46 = tpu.memref_slice %arg11[%dma_wait3A_36] : memref<3x!tpu.dma_semaphore, #tpu.memory_space<semaphore_mem>> -> memref<1x!tpu.dma_semaphore, #tpu.memory_space<semaphore_mem>>
    %dma_wait3A_47 = tpu.memref_squeeze %dma_wait3A_46 : memref<1x!tpu.dma_semaphore, #tpu.memory_space<semaphore_mem>> -> memref<!tpu.dma_semaphore, #tpu.memory_space<semaphore_mem>>
    tpu.wait_indirect_dma semaphore(%dma_wait3A_47 : memref<!tpu.dma_semaphore, #tpu.memory_space<semaphore_mem>>) src(%dma_wait3A_45 : memref<1000x128xf32, #tpu.memory_space<hbm>>) dst(%dma_wait3A_40 : memref<128x128xf32, #tpu.memory_space<vmem>>)
    %add3A_48 = arith.constant 0 : i32
    %add3A_49 = arith.addi %mul3A_2, %add3A_48 : i32
    %dma_start3A_50 = arith.constant 0 : i32
    %dma_start3A_51 = arith.constant 0 : i32
    %dma_start3A_52 = arith.constant 0 : i32
    %dma_start3A_53 = arith.constant 0 : i32
    %dma_start3A_54 = tpu.memref_slice %arg10[%dma_start3A_50, %dma_start3A_52, %dma_start3A_53] : memref<3x128x128xf32, #tpu.memory_space<vmem>> -> memref<1x128x128xf32, #tpu.memory_space<vmem>>
    %dma_start3A_55 = tpu.memref_squeeze %dma_start3A_54 : memref<1x128x128xf32, #tpu.memory_space<vmem>> -> memref<128x128xf32, #tpu.memory_space<vmem>>
    %dma_start3A_56 = arith.constant 0 : i32
    %dma_start3A_57 = tpu.memref_slice %arg6[%add3A_49, %dma_start3A_56] : memref<16384x128xf32, #tpu.memory_space<hbm>> -> memref<128x128xf32, #tpu.memory_space<hbm>>
    %dma_start3A_58 = tpu.memref_slice %arg12[%dma_start3A_51] : memref<3x!tpu.dma_semaphore, #tpu.memory_space<semaphore_mem>> -> memref<1x!tpu.dma_semaphore, #tpu.memory_space<semaphore_mem>>
    %dma_start3A_59 = tpu.memref_squeeze %dma_start3A_58 : memref<1x!tpu.dma_semaphore, #tpu.memory_space<semaphore_mem>> -> memref<!tpu.dma_semaphore, #tpu.memory_space<semaphore_mem>>
    %dma_start3A_60 = arith.constant 0 : i32
    %dma_start3A_61 = tpu.memref_slice %arg6[%add3A_49, %dma_start3A_60] : memref<16384x128xf32, #tpu.memory_space<hbm>> -> memref<128x128xf32, #tpu.memory_space<hbm>>
    %dma_start3A_62 = arith.constant 0 : i32
    %dma_start3A_63 = arith.constant 0 : i32
    %dma_start3A_64 = tpu.memref_slice %arg10[%dma_start3A_50, %dma_start3A_62, %dma_start3A_63] : memref<3x128x128xf32, #tpu.memory_space<vmem>> -> memref<1x128x128xf32, #tpu.memory_space<vmem>>
    %dma_start3A_65 = tpu.memref_squeeze %dma_start3A_64 : memref<1x128x128xf32, #tpu.memory_space<vmem>> -> memref<128x128xf32, #tpu.memory_space<vmem>>
    tpu.enqueue_dma source(%dma_start3A_65 : memref<128x128xf32, #tpu.memory_space<vmem>>) target(%dma_start3A_61 : memref<128x128xf32, #tpu.memory_space<hbm>>) target_semaphore(%dma_start3A_59 : memref<!tpu.dma_semaphore, #tpu.memory_space<semaphore_mem>>)
    %dma_start3A_66 = arith.constant 2 : i32
    %dma_start3A_67 = arith.constant 2 : i32
    %dma_start3A_68 = arith.constant 0 : i32
    %dma_start3A_69 = arith.constant 0 : i32
    %dma_start3A_70 = tpu.memref_slice %arg10[%dma_start3A_66, %dma_start3A_68, %dma_start3A_69] : memref<3x128x128xf32, #tpu.memory_space<vmem>> -> memref<1x128x128xf32, #tpu.memory_space<vmem>>
    %dma_start3A_71 = tpu.memref_squeeze %dma_start3A_70 : memref<1x128x128xf32, #tpu.memory_space<vmem>> -> memref<128x128xf32, #tpu.memory_space<vmem>>
    %dma_start3A_72 = arith.constant 256 : i32
    %dma_start3A_73 = tpu.memref_slice %arg8[%dma_start3A_72] : memref<512xi32, #tpu.memory_space<vmem>> -> memref<128xi32, #tpu.memory_space<vmem>>
    %dma_start3A_74 = arith.constant 0 : i32
    %dma_start3A_75 = arith.constant 0 : i32
    %dma_start3A_76 = tpu.memref_slice %arg2[%dma_start3A_74, %dma_start3A_75] : memref<1000x128xf32, #tpu.memory_space<hbm>> -> memref<1000x128xf32, #tpu.memory_space<hbm>>
    %dma_start3A_77 = tpu.memref_slice %arg11[%dma_start3A_67] : memref<3x!tpu.dma_semaphore, #tpu.memory_space<semaphore_mem>> -> memref<1x!tpu.dma_semaphore, #tpu.memory_space<semaphore_mem>>
    %dma_start3A_78 = tpu.memref_squeeze %dma_start3A_77 : memref<1x!tpu.dma_semaphore, #tpu.memory_space<semaphore_mem>> -> memref<!tpu.dma_semaphore, #tpu.memory_space<semaphore_mem>>
    tpu.enqueue_indirect_dma source(%dma_start3A_76 : memref<1000x128xf32, #tpu.memory_space<hbm>>) target(%dma_start3A_71 : memref<128x128xf32, #tpu.memory_space<vmem>>) offsets(%dma_start3A_73 : memref<128xi32, #tpu.memory_space<vmem>>) semaphore(%dma_start3A_78 : memref<!tpu.dma_semaphore, #tpu.memory_space<semaphore_mem>>)
    %dma_wait3A_79 = arith.constant 1 : i32
    %dma_wait3A_80 = arith.constant 1 : i32
    %dma_wait3A_81 = arith.constant 0 : i32
    %dma_wait3A_82 = arith.constant 0 : i32
    %dma_wait3A_83 = tpu.memref_slice %arg10[%dma_wait3A_79, %dma_wait3A_81, %dma_wait3A_82] : memref<3x128x128xf32, #tpu.memory_space<vmem>> -> memref<1x128x128xf32, #tpu.memory_space<vmem>>
    %dma_wait3A_84 = tpu.memref_squeeze %dma_wait3A_83 : memref<1x128x128xf32, #tpu.memory_space<vmem>> -> memref<128x128xf32, #tpu.memory_space<vmem>>
    %dma_wait3A_85 = arith.constant 128 : i32
    %dma_wait3A_86 = tpu.memref_slice %arg8[%dma_wait3A_85] : memref<512xi32, #tpu.memory_space<vmem>> -> memref<128xi32, #tpu.memory_space<vmem>>
    %dma_wait3A_87 = arith.constant 0 : i32
    %dma_wait3A_88 = arith.constant 0 : i32
    %dma_wait3A_89 = tpu.memref_slice %arg2[%dma_wait3A_87, %dma_wait3A_88] : memref<1000x128xf32, #tpu.memory_space<hbm>> -> memref<1000x128xf32, #tpu.memory_space<hbm>>
    %dma_wait3A_90 = tpu.memref_slice %arg11[%dma_wait3A_80] : memref<3x!tpu.dma_semaphore, #tpu.memory_space<semaphore_mem>> -> memref<1x!tpu.dma_semaphore, #tpu.memory_space<semaphore_mem>>
    %dma_wait3A_91 = tpu.memref_squeeze %dma_wait3A_90 : memref<1x!tpu.dma_semaphore, #tpu.memory_space<semaphore_mem>> -> memref<!tpu.dma_semaphore, #tpu.memory_space<semaphore_mem>>
    tpu.wait_indirect_dma semaphore(%dma_wait3A_91 : memref<!tpu.dma_semaphore, #tpu.memory_space<semaphore_mem>>) src(%dma_wait3A_89 : memref<1000x128xf32, #tpu.memory_space<hbm>>) dst(%dma_wait3A_84 : memref<128x128xf32, #tpu.memory_space<vmem>>)
    %add3A_92 = arith.constant 128 : i32
    %add3A_93 = arith.addi %mul3A_2, %add3A_92 : i32
    %dma_start3A_94 = arith.constant 1 : i32
    %dma_start3A_95 = arith.constant 1 : i32
    %dma_start3A_96 = arith.constant 0 : i32
    %dma_start3A_97 = arith.constant 0 : i32
    %dma_start3A_98 = tpu.memref_slice %arg10[%dma_start3A_94, %dma_start3A_96, %dma_start3A_97] : memref<3x128x128xf32, #tpu.memory_space<vmem>> -> memref<1x128x128xf32, #tpu.memory_space<vmem>>
    %dma_start3A_99 = tpu.memref_squeeze %dma_start3A_98 : memref<1x128x128xf32, #tpu.memory_space<vmem>> -> memref<128x128xf32, #tpu.memory_space<vmem>>
    %dma_start3A_100 = arith.constant 0 : i32
    %dma_start3A_101 = tpu.memref_slice %arg6[%add3A_93, %dma_start3A_100] : memref<16384x128xf32, #tpu.memory_space<hbm>> -> memref<128x128xf32, #tpu.memory_space<hbm>>
    %dma_start3A_102 = tpu.memref_slice %arg12[%dma_start3A_95] : memref<3x!tpu.dma_semaphore, #tpu.memory_space<semaphore_mem>> -> memref<1x!tpu.dma_semaphore, #tpu.memory_space<semaphore_mem>>
    %dma_start3A_103 = tpu.memref_squeeze %dma_start3A_102 : memref<1x!tpu.dma_semaphore, #tpu.memory_space<semaphore_mem>> -> memref<!tpu.dma_semaphore, #tpu.memory_space<semaphore_mem>>
    %dma_start3A_104 = arith.constant 0 : i32
    %dma_start3A_105 = tpu.memref_slice %arg6[%add3A_93, %dma_start3A_104] : memref<16384x128xf32, #tpu.memory_space<hbm>> -> memref<128x128xf32, #tpu.memory_space<hbm>>
    %dma_start3A_106 = arith.constant 0 : i32
    %dma_start3A_107 = arith.constant 0 : i32
    %dma_start3A_108 = tpu.memref_slice %arg10[%dma_start3A_94, %dma_start3A_106, %dma_start3A_107] : memref<3x128x128xf32, #tpu.memory_space<vmem>> -> memref<1x128x128xf32, #tpu.memory_space<vmem>>
    %dma_start3A_109 = tpu.memref_squeeze %dma_start3A_108 : memref<1x128x128xf32, #tpu.memory_space<vmem>> -> memref<128x128xf32, #tpu.memory_space<vmem>>
    tpu.enqueue_dma source(%dma_start3A_109 : memref<128x128xf32, #tpu.memory_space<vmem>>) target(%dma_start3A_105 : memref<128x128xf32, #tpu.memory_space<hbm>>) target_semaphore(%dma_start3A_103 : memref<!tpu.dma_semaphore, #tpu.memory_space<semaphore_mem>>)
    %dma_wait3A_110 = arith.constant 0 : i32
    %dma_wait3A_111 = arith.constant 0 : i32
    %dma_wait3A_112 = arith.constant 0 : i32
    %dma_wait3A_113 = arith.constant 0 : i32
    %dma_wait3A_114 = tpu.memref_slice %arg10[%dma_wait3A_110, %dma_wait3A_112, %dma_wait3A_113] : memref<3x128x128xf32, #tpu.memory_space<vmem>> -> memref<1x128x128xf32, #tpu.memory_space<vmem>>
    %dma_wait3A_115 = tpu.memref_squeeze %dma_wait3A_114 : memref<1x128x128xf32, #tpu.memory_space<vmem>> -> memref<128x128xf32, #tpu.memory_space<vmem>>
    %dma_wait3A_116 = arith.constant 0 : i32
    %dma_wait3A_117 = tpu.memref_slice %arg6[%add3A_49, %dma_wait3A_116] : memref<16384x128xf32, #tpu.memory_space<hbm>> -> memref<128x128xf32, #tpu.memory_space<hbm>>
    %dma_wait3A_118 = tpu.memref_slice %arg12[%dma_wait3A_111] : memref<3x!tpu.dma_semaphore, #tpu.memory_space<semaphore_mem>> -> memref<1x!tpu.dma_semaphore, #tpu.memory_space<semaphore_mem>>
    %dma_wait3A_119 = tpu.memref_squeeze %dma_wait3A_118 : memref<1x!tpu.dma_semaphore, #tpu.memory_space<semaphore_mem>> -> memref<!tpu.dma_semaphore, #tpu.memory_space<semaphore_mem>>
    %dma_wait3A_120 = arith.constant 0 : i32
    %dma_wait3A_121 = tpu.memref_slice %arg6[%add3A_49, %dma_wait3A_120] : memref<16384x128xf32, #tpu.memory_space<hbm>> -> memref<128x128xf32, #tpu.memory_space<hbm>>
    %dma_wait3A_122 = arith.constant 0 : i32
    %dma_wait3A_123 = arith.constant 0 : i32
    %dma_wait3A_124 = tpu.memref_slice %arg10[%dma_wait3A_110, %dma_wait3A_122, %dma_wait3A_123] : memref<3x128x128xf32, #tpu.memory_space<vmem>> -> memref<1x128x128xf32, #tpu.memory_space<vmem>>
    %dma_wait3A_125 = tpu.memref_squeeze %dma_wait3A_124 : memref<1x128x128xf32, #tpu.memory_space<vmem>> -> memref<128x128xf32, #tpu.memory_space<vmem>>
    tpu.wait_dma2 semaphore(%dma_wait3A_119 : memref<!tpu.dma_semaphore, #tpu.memory_space<semaphore_mem>>) src(%dma_wait3A_125 : memref<128x128xf32, #tpu.memory_space<vmem>>) dst(%dma_wait3A_121 : memref<128x128xf32, #tpu.memory_space<hbm>>)
    %dma_start3A_126 = arith.constant 0 : i32
    %dma_start3A_127 = arith.constant 0 : i32
    %dma_start3A_128 = arith.constant 0 : i32
    %dma_start3A_129 = arith.constant 0 : i32
    %dma_start3A_130 = tpu.memref_slice %arg10[%dma_start3A_126, %dma_start3A_128, %dma_start3A_129] : memref<3x128x128xf32, #tpu.memory_space<vmem>> -> memref<1x128x128xf32, #tpu.memory_space<vmem>>
    %dma_start3A_131 = tpu.memref_squeeze %dma_start3A_130 : memref<1x128x128xf32, #tpu.memory_space<vmem>> -> memref<128x128xf32, #tpu.memory_space<vmem>>
    %dma_start3A_132 = arith.constant 384 : i32
    %dma_start3A_133 = tpu.memref_slice %arg8[%dma_start3A_132] : memref<512xi32, #tpu.memory_space<vmem>> -> memref<128xi32, #tpu.memory_space<vmem>>
    %dma_start3A_134 = arith.constant 0 : i32
    %dma_start3A_135 = arith.constant 0 : i32
    %dma_start3A_136 = tpu.memref_slice %arg2[%dma_start3A_134, %dma_start3A_135] : memref<1000x128xf32, #tpu.memory_space<hbm>> -> memref<1000x128xf32, #tpu.memory_space<hbm>>
    %dma_start3A_137 = tpu.memref_slice %arg11[%dma_start3A_127] : memref<3x!tpu.dma_semaphore, #tpu.memory_space<semaphore_mem>> -> memref<1x!tpu.dma_semaphore, #tpu.memory_space<semaphore_mem>>
    %dma_start3A_138 = tpu.memref_squeeze %dma_start3A_137 : memref<1x!tpu.dma_semaphore, #tpu.memory_space<semaphore_mem>> -> memref<!tpu.dma_semaphore, #tpu.memory_space<semaphore_mem>>
    tpu.enqueue_indirect_dma source(%dma_start3A_136 : memref<1000x128xf32, #tpu.memory_space<hbm>>) target(%dma_start3A_131 : memref<128x128xf32, #tpu.memory_space<vmem>>) offsets(%dma_start3A_133 : memref<128xi32, #tpu.memory_space<vmem>>) semaphore(%dma_start3A_138 : memref<!tpu.dma_semaphore, #tpu.memory_space<semaphore_mem>>)
    %dma_wait3A_139 = arith.constant 2 : i32
    %dma_wait3A_140 = arith.constant 2 : i32
    %dma_wait3A_141 = arith.constant 0 : i32
    %dma_wait3A_142 = arith.constant 0 : i32
    %dma_wait3A_143 = tpu.memref_slice %arg10[%dma_wait3A_139, %dma_wait3A_141, %dma_wait3A_142] : memref<3x128x128xf32, #tpu.memory_space<vmem>> -> memref<1x128x128xf32, #tpu.memory_space<vmem>>
    %dma_wait3A_144 = tpu.memref_squeeze %dma_wait3A_143 : memref<1x128x128xf32, #tpu.memory_space<vmem>> -> memref<128x128xf32, #tpu.memory_space<vmem>>
    %dma_wait3A_145 = arith.constant 256 : i32
    %dma_wait3A_146 = tpu.memref_slice %arg8[%dma_wait3A_145] : memref<512xi32, #tpu.memory_space<vmem>> -> memref<128xi32, #tpu.memory_space<vmem>>
    %dma_wait3A_147 = arith.constant 0 : i32
    %dma_wait3A_148 = arith.constant 0 : i32
    %dma_wait3A_149 = tpu.memref_slice %arg2[%dma_wait3A_147, %dma_wait3A_148] : memref<1000x128xf32, #tpu.memory_space<hbm>> -> memref<1000x128xf32, #tpu.memory_space<hbm>>
    %dma_wait3A_150 = tpu.memref_slice %arg11[%dma_wait3A_140] : memref<3x!tpu.dma_semaphore, #tpu.memory_space<semaphore_mem>> -> memref<1x!tpu.dma_semaphore, #tpu.memory_space<semaphore_mem>>
    %dma_wait3A_151 = tpu.memref_squeeze %dma_wait3A_150 : memref<1x!tpu.dma_semaphore, #tpu.memory_space<semaphore_mem>> -> memref<!tpu.dma_semaphore, #tpu.memory_space<semaphore_mem>>
    tpu.wait_indirect_dma semaphore(%dma_wait3A_151 : memref<!tpu.dma_semaphore, #tpu.memory_space<semaphore_mem>>) src(%dma_wait3A_149 : memref<1000x128xf32, #tpu.memory_space<hbm>>) dst(%dma_wait3A_144 : memref<128x128xf32, #tpu.memory_space<vmem>>)
    %add3A_152 = arith.constant 256 : i32
    %add3A_153 = arith.addi %mul3A_2, %add3A_152 : i32
    %dma_start3A_154 = arith.constant 2 : i32
    %dma_start3A_155 = arith.constant 2 : i32
    %dma_start3A_156 = arith.constant 0 : i32
    %dma_start3A_157 = arith.constant 0 : i32
    %dma_start3A_158 = tpu.memref_slice %arg10[%dma_start3A_154, %dma_start3A_156, %dma_start3A_157] : memref<3x128x128xf32, #tpu.memory_space<vmem>> -> memref<1x128x128xf32, #tpu.memory_space<vmem>>
    %dma_start3A_159 = tpu.memref_squeeze %dma_start3A_158 : memref<1x128x128xf32, #tpu.memory_space<vmem>> -> memref<128x128xf32, #tpu.memory_space<vmem>>
    %dma_start3A_160 = arith.constant 0 : i32
    %dma_start3A_161 = tpu.memref_slice %arg6[%add3A_153, %dma_start3A_160] : memref<16384x128xf32, #tpu.memory_space<hbm>> -> memref<128x128xf32, #tpu.memory_space<hbm>>
    %dma_start3A_162 = tpu.memref_slice %arg12[%dma_start3A_155] : memref<3x!tpu.dma_semaphore, #tpu.memory_space<semaphore_mem>> -> memref<1x!tpu.dma_semaphore, #tpu.memory_space<semaphore_mem>>
    %dma_start3A_163 = tpu.memref_squeeze %dma_start3A_162 : memref<1x!tpu.dma_semaphore, #tpu.memory_space<semaphore_mem>> -> memref<!tpu.dma_semaphore, #tpu.memory_space<semaphore_mem>>
    %dma_start3A_164 = arith.constant 0 : i32
    %dma_start3A_165 = tpu.memref_slice %arg6[%add3A_153, %dma_start3A_164] : memref<16384x128xf32, #tpu.memory_space<hbm>> -> memref<128x128xf32, #tpu.memory_space<hbm>>
    %dma_start3A_166 = arith.constant 0 : i32
    %dma_start3A_167 = arith.constant 0 : i32
    %dma_start3A_168 = tpu.memref_slice %arg10[%dma_start3A_154, %dma_start3A_166, %dma_start3A_167] : memref<3x128x128xf32, #tpu.memory_space<vmem>> -> memref<1x128x128xf32, #tpu.memory_space<vmem>>
    %dma_start3A_169 = tpu.memref_squeeze %dma_start3A_168 : memref<1x128x128xf32, #tpu.memory_space<vmem>> -> memref<128x128xf32, #tpu.memory_space<vmem>>
    tpu.enqueue_dma source(%dma_start3A_169 : memref<128x128xf32, #tpu.memory_space<vmem>>) target(%dma_start3A_165 : memref<128x128xf32, #tpu.memory_space<hbm>>) target_semaphore(%dma_start3A_163 : memref<!tpu.dma_semaphore, #tpu.memory_space<semaphore_mem>>)
    %dma_wait3A_170 = arith.constant 1 : i32
    %dma_wait3A_171 = arith.constant 1 : i32
    %dma_wait3A_172 = arith.constant 0 : i32
    %dma_wait3A_173 = arith.constant 0 : i32
    %dma_wait3A_174 = tpu.memref_slice %arg10[%dma_wait3A_170, %dma_wait3A_172, %dma_wait3A_173] : memref<3x128x128xf32, #tpu.memory_space<vmem>> -> memref<1x128x128xf32, #tpu.memory_space<vmem>>
    %dma_wait3A_175 = tpu.memref_squeeze %dma_wait3A_174 : memref<1x128x128xf32, #tpu.memory_space<vmem>> -> memref<128x128xf32, #tpu.memory_space<vmem>>
    %dma_wait3A_176 = arith.constant 0 : i32
    %dma_wait3A_177 = tpu.memref_slice %arg6[%add3A_93, %dma_wait3A_176] : memref<16384x128xf32, #tpu.memory_space<hbm>> -> memref<128x128xf32, #tpu.memory_space<hbm>>
    %dma_wait3A_178 = tpu.memref_slice %arg12[%dma_wait3A_171] : memref<3x!tpu.dma_semaphore, #tpu.memory_space<semaphore_mem>> -> memref<1x!tpu.dma_semaphore, #tpu.memory_space<semaphore_mem>>
    %dma_wait3A_179 = tpu.memref_squeeze %dma_wait3A_178 : memref<1x!tpu.dma_semaphore, #tpu.memory_space<semaphore_mem>> -> memref<!tpu.dma_semaphore, #tpu.memory_space<semaphore_mem>>
    %dma_wait3A_180 = arith.constant 0 : i32
    %dma_wait3A_181 = tpu.memref_slice %arg6[%add3A_93, %dma_wait3A_180] : memref<16384x128xf32, #tpu.memory_space<hbm>> -> memref<128x128xf32, #tpu.memory_space<hbm>>
    %dma_wait3A_182 = arith.constant 0 : i32
    %dma_wait3A_183 = arith.constant 0 : i32
    %dma_wait3A_184 = tpu.memref_slice %arg10[%dma_wait3A_170, %dma_wait3A_182, %dma_wait3A_183] : memref<3x128x128xf32, #tpu.memory_space<vmem>> -> memref<1x128x128xf32, #tpu.memory_space<vmem>>
    %dma_wait3A_185 = tpu.memref_squeeze %dma_wait3A_184 : memref<1x128x128xf32, #tpu.memory_space<vmem>> -> memref<128x128xf32, #tpu.memory_space<vmem>>
    tpu.wait_dma2 semaphore(%dma_wait3A_179 : memref<!tpu.dma_semaphore, #tpu.memory_space<semaphore_mem>>) src(%dma_wait3A_185 : memref<128x128xf32, #tpu.memory_space<vmem>>) dst(%dma_wait3A_181 : memref<128x128xf32, #tpu.memory_space<hbm>>)
    %dma_start3A_186 = arith.constant 1 : i32
    %dma_start3A_187 = arith.constant 1 : i32
    %dma_start3A_188 = arith.constant 0 : i32
    %dma_start3A_189 = arith.constant 0 : i32
    %dma_start3A_190 = tpu.memref_slice %arg10[%dma_start3A_186, %dma_start3A_188, %dma_start3A_189] : memref<3x128x128xf32, #tpu.memory_space<vmem>> -> memref<1x128x128xf32, #tpu.memory_space<vmem>>
    %dma_start3A_191 = tpu.memref_squeeze %dma_start3A_190 : memref<1x128x128xf32, #tpu.memory_space<vmem>> -> memref<128x128xf32, #tpu.memory_space<vmem>>
    %dma_start3A_192 = arith.constant 0 : i32
    %dma_start3A_193 = tpu.memref_slice %arg9[%dma_start3A_192] : memref<512xi32, #tpu.memory_space<vmem>> -> memref<128xi32, #tpu.memory_space<vmem>>
    %dma_start3A_194 = arith.constant 0 : i32
    %dma_start3A_195 = arith.constant 0 : i32
    %dma_start3A_196 = tpu.memref_slice %arg3[%dma_start3A_194, %dma_start3A_195] : memref<100000x128xf32, #tpu.memory_space<hbm>> -> memref<100000x128xf32, #tpu.memory_space<hbm>>
    %dma_start3A_197 = tpu.memref_slice %arg11[%dma_start3A_187] : memref<3x!tpu.dma_semaphore, #tpu.memory_space<semaphore_mem>> -> memref<1x!tpu.dma_semaphore, #tpu.memory_space<semaphore_mem>>
    %dma_start3A_198 = tpu.memref_squeeze %dma_start3A_197 : memref<1x!tpu.dma_semaphore, #tpu.memory_space<semaphore_mem>> -> memref<!tpu.dma_semaphore, #tpu.memory_space<semaphore_mem>>
    tpu.enqueue_indirect_dma source(%dma_start3A_196 : memref<100000x128xf32, #tpu.memory_space<hbm>>) target(%dma_start3A_191 : memref<128x128xf32, #tpu.memory_space<vmem>>) offsets(%dma_start3A_193 : memref<128xi32, #tpu.memory_space<vmem>>) semaphore(%dma_start3A_198 : memref<!tpu.dma_semaphore, #tpu.memory_space<semaphore_mem>>)
    %dma_wait3A_199 = arith.constant 0 : i32
    %dma_wait3A_200 = arith.constant 0 : i32
    %dma_wait3A_201 = arith.constant 0 : i32
    %dma_wait3A_202 = arith.constant 0 : i32
    %dma_wait3A_203 = tpu.memref_slice %arg10[%dma_wait3A_199, %dma_wait3A_201, %dma_wait3A_202] : memref<3x128x128xf32, #tpu.memory_space<vmem>> -> memref<1x128x128xf32, #tpu.memory_space<vmem>>
    %dma_wait3A_204 = tpu.memref_squeeze %dma_wait3A_203 : memref<1x128x128xf32, #tpu.memory_space<vmem>> -> memref<128x128xf32, #tpu.memory_space<vmem>>
    %dma_wait3A_205 = arith.constant 384 : i32
    %dma_wait3A_206 = tpu.memref_slice %arg8[%dma_wait3A_205] : memref<512xi32, #tpu.memory_space<vmem>> -> memref<128xi32, #tpu.memory_space<vmem>>
    %dma_wait3A_207 = arith.constant 0 : i32
    %dma_wait3A_208 = arith.constant 0 : i32
    %dma_wait3A_209 = tpu.memref_slice %arg2[%dma_wait3A_207, %dma_wait3A_208] : memref<1000x128xf32, #tpu.memory_space<hbm>> -> memref<1000x128xf32, #tpu.memory_space<hbm>>
    %dma_wait3A_210 = tpu.memref_slice %arg11[%dma_wait3A_200] : memref<3x!tpu.dma_semaphore, #tpu.memory_space<semaphore_mem>> -> memref<1x!tpu.dma_semaphore, #tpu.memory_space<semaphore_mem>>
    %dma_wait3A_211 = tpu.memref_squeeze %dma_wait3A_210 : memref<1x!tpu.dma_semaphore, #tpu.memory_space<semaphore_mem>> -> memref<!tpu.dma_semaphore, #tpu.memory_space<semaphore_mem>>
    tpu.wait_indirect_dma semaphore(%dma_wait3A_211 : memref<!tpu.dma_semaphore, #tpu.memory_space<semaphore_mem>>) src(%dma_wait3A_209 : memref<1000x128xf32, #tpu.memory_space<hbm>>) dst(%dma_wait3A_204 : memref<128x128xf32, #tpu.memory_space<vmem>>)
    %add3A_212 = arith.constant 384 : i32
    %add3A_213 = arith.addi %mul3A_2, %add3A_212 : i32
    %dma_start3A_214 = arith.constant 0 : i32
    %dma_start3A_215 = arith.constant 0 : i32
    %dma_start3A_216 = arith.constant 0 : i32
    %dma_start3A_217 = arith.constant 0 : i32
    %dma_start3A_218 = tpu.memref_slice %arg10[%dma_start3A_214, %dma_start3A_216, %dma_start3A_217] : memref<3x128x128xf32, #tpu.memory_space<vmem>> -> memref<1x128x128xf32, #tpu.memory_space<vmem>>
    %dma_start3A_219 = tpu.memref_squeeze %dma_start3A_218 : memref<1x128x128xf32, #tpu.memory_space<vmem>> -> memref<128x128xf32, #tpu.memory_space<vmem>>
    %dma_start3A_220 = arith.constant 0 : i32
    %dma_start3A_221 = tpu.memref_slice %arg6[%add3A_213, %dma_start3A_220] : memref<16384x128xf32, #tpu.memory_space<hbm>> -> memref<128x128xf32, #tpu.memory_space<hbm>>
    %dma_start3A_222 = tpu.memref_slice %arg12[%dma_start3A_215] : memref<3x!tpu.dma_semaphore, #tpu.memory_space<semaphore_mem>> -> memref<1x!tpu.dma_semaphore, #tpu.memory_space<semaphore_mem>>
    %dma_start3A_223 = tpu.memref_squeeze %dma_start3A_222 : memref<1x!tpu.dma_semaphore, #tpu.memory_space<semaphore_mem>> -> memref<!tpu.dma_semaphore, #tpu.memory_space<semaphore_mem>>
    %dma_start3A_224 = arith.constant 0 : i32
    %dma_start3A_225 = tpu.memref_slice %arg6[%add3A_213, %dma_start3A_224] : memref<16384x128xf32, #tpu.memory_space<hbm>> -> memref<128x128xf32, #tpu.memory_space<hbm>>
    %dma_start3A_226 = arith.constant 0 : i32
    %dma_start3A_227 = arith.constant 0 : i32
    %dma_start3A_228 = tpu.memref_slice %arg10[%dma_start3A_214, %dma_start3A_226, %dma_start3A_227] : memref<3x128x128xf32, #tpu.memory_space<vmem>> -> memref<1x128x128xf32, #tpu.memory_space<vmem>>
    %dma_start3A_229 = tpu.memref_squeeze %dma_start3A_228 : memref<1x128x128xf32, #tpu.memory_space<vmem>> -> memref<128x128xf32, #tpu.memory_space<vmem>>
    tpu.enqueue_dma source(%dma_start3A_229 : memref<128x128xf32, #tpu.memory_space<vmem>>) target(%dma_start3A_225 : memref<128x128xf32, #tpu.memory_space<hbm>>) target_semaphore(%dma_start3A_223 : memref<!tpu.dma_semaphore, #tpu.memory_space<semaphore_mem>>)
    %dma_wait3A_230 = arith.constant 2 : i32
    %dma_wait3A_231 = arith.constant 2 : i32
    %dma_wait3A_232 = arith.constant 0 : i32
    %dma_wait3A_233 = arith.constant 0 : i32
    %dma_wait3A_234 = tpu.memref_slice %arg10[%dma_wait3A_230, %dma_wait3A_232, %dma_wait3A_233] : memref<3x128x128xf32, #tpu.memory_space<vmem>> -> memref<1x128x128xf32, #tpu.memory_space<vmem>>
    %dma_wait3A_235 = tpu.memref_squeeze %dma_wait3A_234 : memref<1x128x128xf32, #tpu.memory_space<vmem>> -> memref<128x128xf32, #tpu.memory_space<vmem>>
    %dma_wait3A_236 = arith.constant 0 : i32
    %dma_wait3A_237 = tpu.memref_slice %arg6[%add3A_153, %dma_wait3A_236] : memref<16384x128xf32, #tpu.memory_space<hbm>> -> memref<128x128xf32, #tpu.memory_space<hbm>>
    %dma_wait3A_238 = tpu.memref_slice %arg12[%dma_wait3A_231] : memref<3x!tpu.dma_semaphore, #tpu.memory_space<semaphore_mem>> -> memref<1x!tpu.dma_semaphore, #tpu.memory_space<semaphore_mem>>
    %dma_wait3A_239 = tpu.memref_squeeze %dma_wait3A_238 : memref<1x!tpu.dma_semaphore, #tpu.memory_space<semaphore_mem>> -> memref<!tpu.dma_semaphore, #tpu.memory_space<semaphore_mem>>
    %dma_wait3A_240 = arith.constant 0 : i32
    %dma_wait3A_241 = tpu.memref_slice %arg6[%add3A_153, %dma_wait3A_240] : memref<16384x128xf32, #tpu.memory_space<hbm>> -> memref<128x128xf32, #tpu.memory_space<hbm>>
    %dma_wait3A_242 = arith.constant 0 : i32
    %dma_wait3A_243 = arith.constant 0 : i32
    %dma_wait3A_244 = tpu.memref_slice %arg10[%dma_wait3A_230, %dma_wait3A_242, %dma_wait3A_243] : memref<3x128x128xf32, #tpu.memory_space<vmem>> -> memref<1x128x128xf32, #tpu.memory_space<vmem>>
    %dma_wait3A_245 = tpu.memref_squeeze %dma_wait3A_244 : memref<1x128x128xf32, #tpu.memory_space<vmem>> -> memref<128x128xf32, #tpu.memory_space<vmem>>
    tpu.wait_dma2 semaphore(%dma_wait3A_239 : memref<!tpu.dma_semaphore, #tpu.memory_space<semaphore_mem>>) src(%dma_wait3A_245 : memref<128x128xf32, #tpu.memory_space<vmem>>) dst(%dma_wait3A_241 : memref<128x128xf32, #tpu.memory_space<hbm>>)
    %dma_start3A_246 = arith.constant 2 : i32
    %dma_start3A_247 = arith.constant 2 : i32
    %dma_start3A_248 = arith.constant 0 : i32
    %dma_start3A_249 = arith.constant 0 : i32
    %dma_start3A_250 = tpu.memref_slice %arg10[%dma_start3A_246, %dma_start3A_248, %dma_start3A_249] : memref<3x128x128xf32, #tpu.memory_space<vmem>> -> memref<1x128x128xf32, #tpu.memory_space<vmem>>
    %dma_start3A_251 = tpu.memref_squeeze %dma_start3A_250 : memref<1x128x128xf32, #tpu.memory_space<vmem>> -> memref<128x128xf32, #tpu.memory_space<vmem>>
    %dma_start3A_252 = arith.constant 128 : i32
    %dma_start3A_253 = tpu.memref_slice %arg9[%dma_start3A_252] : memref<512xi32, #tpu.memory_space<vmem>> -> memref<128xi32, #tpu.memory_space<vmem>>
    %dma_start3A_254 = arith.constant 0 : i32
    %dma_start3A_255 = arith.constant 0 : i32
    %dma_start3A_256 = tpu.memref_slice %arg3[%dma_start3A_254, %dma_start3A_255] : memref<100000x128xf32, #tpu.memory_space<hbm>> -> memref<100000x128xf32, #tpu.memory_space<hbm>>
    %dma_start3A_257 = tpu.memref_slice %arg11[%dma_start3A_247] : memref<3x!tpu.dma_semaphore, #tpu.memory_space<semaphore_mem>> -> memref<1x!tpu.dma_semaphore, #tpu.memory_space<semaphore_mem>>
    %dma_start3A_258 = tpu.memref_squeeze %dma_start3A_257 : memref<1x!tpu.dma_semaphore, #tpu.memory_space<semaphore_mem>> -> memref<!tpu.dma_semaphore, #tpu.memory_space<semaphore_mem>>
    tpu.enqueue_indirect_dma source(%dma_start3A_256 : memref<100000x128xf32, #tpu.memory_space<hbm>>) target(%dma_start3A_251 : memref<128x128xf32, #tpu.memory_space<vmem>>) offsets(%dma_start3A_253 : memref<128xi32, #tpu.memory_space<vmem>>) semaphore(%dma_start3A_258 : memref<!tpu.dma_semaphore, #tpu.memory_space<semaphore_mem>>)
    %dma_wait3A_259 = arith.constant 1 : i32
    %dma_wait3A_260 = arith.constant 1 : i32
    %dma_wait3A_261 = arith.constant 0 : i32
    %dma_wait3A_262 = arith.constant 0 : i32
    %dma_wait3A_263 = tpu.memref_slice %arg10[%dma_wait3A_259, %dma_wait3A_261, %dma_wait3A_262] : memref<3x128x128xf32, #tpu.memory_space<vmem>> -> memref<1x128x128xf32, #tpu.memory_space<vmem>>
    %dma_wait3A_264 = tpu.memref_squeeze %dma_wait3A_263 : memref<1x128x128xf32, #tpu.memory_space<vmem>> -> memref<128x128xf32, #tpu.memory_space<vmem>>
    %dma_wait3A_265 = arith.constant 0 : i32
    %dma_wait3A_266 = tpu.memref_slice %arg9[%dma_wait3A_265] : memref<512xi32, #tpu.memory_space<vmem>> -> memref<128xi32, #tpu.memory_space<vmem>>
    %dma_wait3A_267 = arith.constant 0 : i32
    %dma_wait3A_268 = arith.constant 0 : i32
    %dma_wait3A_269 = tpu.memref_slice %arg3[%dma_wait3A_267, %dma_wait3A_268] : memref<100000x128xf32, #tpu.memory_space<hbm>> -> memref<100000x128xf32, #tpu.memory_space<hbm>>
    %dma_wait3A_270 = tpu.memref_slice %arg11[%dma_wait3A_260] : memref<3x!tpu.dma_semaphore, #tpu.memory_space<semaphore_mem>> -> memref<1x!tpu.dma_semaphore, #tpu.memory_space<semaphore_mem>>
    %dma_wait3A_271 = tpu.memref_squeeze %dma_wait3A_270 : memref<1x!tpu.dma_semaphore, #tpu.memory_space<semaphore_mem>> -> memref<!tpu.dma_semaphore, #tpu.memory_space<semaphore_mem>>
    tpu.wait_indirect_dma semaphore(%dma_wait3A_271 : memref<!tpu.dma_semaphore, #tpu.memory_space<semaphore_mem>>) src(%dma_wait3A_269 : memref<100000x128xf32, #tpu.memory_space<hbm>>) dst(%dma_wait3A_264 : memref<128x128xf32, #tpu.memory_space<vmem>>)
    %add3A_272 = arith.constant 0 : i32
    %add3A_273 = arith.addi %mul3A_2, %add3A_272 : i32
    %dma_start3A_274 = arith.constant 1 : i32
    %dma_start3A_275 = arith.constant 1 : i32
    %dma_start3A_276 = arith.constant 0 : i32
    %dma_start3A_277 = arith.constant 0 : i32
    %dma_start3A_278 = tpu.memref_slice %arg10[%dma_start3A_274, %dma_start3A_276, %dma_start3A_277] : memref<3x128x128xf32, #tpu.memory_space<vmem>> -> memref<1x128x128xf32, #tpu.memory_space<vmem>>
    %dma_start3A_279 = tpu.memref_squeeze %dma_start3A_278 : memref<1x128x128xf32, #tpu.memory_space<vmem>> -> memref<128x128xf32, #tpu.memory_space<vmem>>
    %dma_start3A_280 = arith.constant 0 : i32
    %dma_start3A_281 = tpu.memref_slice %arg7[%add3A_273, %dma_start3A_280] : memref<16384x128xf32, #tpu.memory_space<hbm>> -> memref<128x128xf32, #tpu.memory_space<hbm>>
    %dma_start3A_282 = tpu.memref_slice %arg12[%dma_start3A_275] : memref<3x!tpu.dma_semaphore, #tpu.memory_space<semaphore_mem>> -> memref<1x!tpu.dma_semaphore, #tpu.memory_space<semaphore_mem>>
    %dma_start3A_283 = tpu.memref_squeeze %dma_start3A_282 : memref<1x!tpu.dma_semaphore, #tpu.memory_space<semaphore_mem>> -> memref<!tpu.dma_semaphore, #tpu.memory_space<semaphore_mem>>
    %dma_start3A_284 = arith.constant 0 : i32
    %dma_start3A_285 = tpu.memref_slice %arg7[%add3A_273, %dma_start3A_284] : memref<16384x128xf32, #tpu.memory_space<hbm>> -> memref<128x128xf32, #tpu.memory_space<hbm>>
    %dma_start3A_286 = arith.constant 0 : i32
    %dma_start3A_287 = arith.constant 0 : i32
    %dma_start3A_288 = tpu.memref_slice %arg10[%dma_start3A_274, %dma_start3A_286, %dma_start3A_287] : memref<3x128x128xf32, #tpu.memory_space<vmem>> -> memref<1x128x128xf32, #tpu.memory_space<vmem>>
    %dma_start3A_289 = tpu.memref_squeeze %dma_start3A_288 : memref<1x128x128xf32, #tpu.memory_space<vmem>> -> memref<128x128xf32, #tpu.memory_space<vmem>>
    tpu.enqueue_dma source(%dma_start3A_289 : memref<128x128xf32, #tpu.memory_space<vmem>>) target(%dma_start3A_285 : memref<128x128xf32, #tpu.memory_space<hbm>>) target_semaphore(%dma_start3A_283 : memref<!tpu.dma_semaphore, #tpu.memory_space<semaphore_mem>>)
    %dma_wait3A_290 = arith.constant 0 : i32
    %dma_wait3A_291 = arith.constant 0 : i32
    %dma_wait3A_292 = arith.constant 0 : i32
    %dma_wait3A_293 = arith.constant 0 : i32
    %dma_wait3A_294 = tpu.memref_slice %arg10[%dma_wait3A_290, %dma_wait3A_292, %dma_wait3A_293] : memref<3x128x128xf32, #tpu.memory_space<vmem>> -> memref<1x128x128xf32, #tpu.memory_space<vmem>>
    %dma_wait3A_295 = tpu.memref_squeeze %dma_wait3A_294 : memref<1x128x128xf32, #tpu.memory_space<vmem>> -> memref<128x128xf32, #tpu.memory_space<vmem>>
    %dma_wait3A_296 = arith.constant 0 : i32
    %dma_wait3A_297 = tpu.memref_slice %arg6[%add3A_213, %dma_wait3A_296] : memref<16384x128xf32, #tpu.memory_space<hbm>> -> memref<128x128xf32, #tpu.memory_space<hbm>>
    %dma_wait3A_298 = tpu.memref_slice %arg12[%dma_wait3A_291] : memref<3x!tpu.dma_semaphore, #tpu.memory_space<semaphore_mem>> -> memref<1x!tpu.dma_semaphore, #tpu.memory_space<semaphore_mem>>
    %dma_wait3A_299 = tpu.memref_squeeze %dma_wait3A_298 : memref<1x!tpu.dma_semaphore, #tpu.memory_space<semaphore_mem>> -> memref<!tpu.dma_semaphore, #tpu.memory_space<semaphore_mem>>
    %dma_wait3A_300 = arith.constant 0 : i32
    %dma_wait3A_301 = tpu.memref_slice %arg6[%add3A_213, %dma_wait3A_300] : memref<16384x128xf32, #tpu.memory_space<hbm>> -> memref<128x128xf32, #tpu.memory_space<hbm>>
    %dma_wait3A_302 = arith.constant 0 : i32
    %dma_wait3A_303 = arith.constant 0 : i32
    %dma_wait3A_304 = tpu.memref_slice %arg10[%dma_wait3A_290, %dma_wait3A_302, %dma_wait3A_303] : memref<3x128x128xf32, #tpu.memory_space<vmem>> -> memref<1x128x128xf32, #tpu.memory_space<vmem>>
    %dma_wait3A_305 = tpu.memref_squeeze %dma_wait3A_304 : memref<1x128x128xf32, #tpu.memory_space<vmem>> -> memref<128x128xf32, #tpu.memory_space<vmem>>
    tpu.wait_dma2 semaphore(%dma_wait3A_299 : memref<!tpu.dma_semaphore, #tpu.memory_space<semaphore_mem>>) src(%dma_wait3A_305 : memref<128x128xf32, #tpu.memory_space<vmem>>) dst(%dma_wait3A_301 : memref<128x128xf32, #tpu.memory_space<hbm>>)
    %dma_start3A_306 = arith.constant 0 : i32
    %dma_start3A_307 = arith.constant 0 : i32
    %dma_start3A_308 = arith.constant 0 : i32
    %dma_start3A_309 = arith.constant 0 : i32
    %dma_start3A_310 = tpu.memref_slice %arg10[%dma_start3A_306, %dma_start3A_308, %dma_start3A_309] : memref<3x128x128xf32, #tpu.memory_space<vmem>> -> memref<1x128x128xf32, #tpu.memory_space<vmem>>
    %dma_start3A_311 = tpu.memref_squeeze %dma_start3A_310 : memref<1x128x128xf32, #tpu.memory_space<vmem>> -> memref<128x128xf32, #tpu.memory_space<vmem>>
    %dma_start3A_312 = arith.constant 256 : i32
    %dma_start3A_313 = tpu.memref_slice %arg9[%dma_start3A_312] : memref<512xi32, #tpu.memory_space<vmem>> -> memref<128xi32, #tpu.memory_space<vmem>>
    %dma_start3A_314 = arith.constant 0 : i32
    %dma_start3A_315 = arith.constant 0 : i32
    %dma_start3A_316 = tpu.memref_slice %arg3[%dma_start3A_314, %dma_start3A_315] : memref<100000x128xf32, #tpu.memory_space<hbm>> -> memref<100000x128xf32, #tpu.memory_space<hbm>>
    %dma_start3A_317 = tpu.memref_slice %arg11[%dma_start3A_307] : memref<3x!tpu.dma_semaphore, #tpu.memory_space<semaphore_mem>> -> memref<1x!tpu.dma_semaphore, #tpu.memory_space<semaphore_mem>>
    %dma_start3A_318 = tpu.memref_squeeze %dma_start3A_317 : memref<1x!tpu.dma_semaphore, #tpu.memory_space<semaphore_mem>> -> memref<!tpu.dma_semaphore, #tpu.memory_space<semaphore_mem>>
    tpu.enqueue_indirect_dma source(%dma_start3A_316 : memref<100000x128xf32, #tpu.memory_space<hbm>>) target(%dma_start3A_311 : memref<128x128xf32, #tpu.memory_space<vmem>>) offsets(%dma_start3A_313 : memref<128xi32, #tpu.memory_space<vmem>>) semaphore(%dma_start3A_318 : memref<!tpu.dma_semaphore, #tpu.memory_space<semaphore_mem>>)
    %dma_wait3A_319 = arith.constant 2 : i32
    %dma_wait3A_320 = arith.constant 2 : i32
    %dma_wait3A_321 = arith.constant 0 : i32
    %dma_wait3A_322 = arith.constant 0 : i32
    %dma_wait3A_323 = tpu.memref_slice %arg10[%dma_wait3A_319, %dma_wait3A_321, %dma_wait3A_322] : memref<3x128x128xf32, #tpu.memory_space<vmem>> -> memref<1x128x128xf32, #tpu.memory_space<vmem>>
    %dma_wait3A_324 = tpu.memref_squeeze %dma_wait3A_323 : memref<1x128x128xf32, #tpu.memory_space<vmem>> -> memref<128x128xf32, #tpu.memory_space<vmem>>
    %dma_wait3A_325 = arith.constant 128 : i32
    %dma_wait3A_326 = tpu.memref_slice %arg9[%dma_wait3A_325] : memref<512xi32, #tpu.memory_space<vmem>> -> memref<128xi32, #tpu.memory_space<vmem>>
    %dma_wait3A_327 = arith.constant 0 : i32
    %dma_wait3A_328 = arith.constant 0 : i32
    %dma_wait3A_329 = tpu.memref_slice %arg3[%dma_wait3A_327, %dma_wait3A_328] : memref<100000x128xf32, #tpu.memory_space<hbm>> -> memref<100000x128xf32, #tpu.memory_space<hbm>>
    %dma_wait3A_330 = tpu.memref_slice %arg11[%dma_wait3A_320] : memref<3x!tpu.dma_semaphore, #tpu.memory_space<semaphore_mem>> -> memref<1x!tpu.dma_semaphore, #tpu.memory_space<semaphore_mem>>
    %dma_wait3A_331 = tpu.memref_squeeze %dma_wait3A_330 : memref<1x!tpu.dma_semaphore, #tpu.memory_space<semaphore_mem>> -> memref<!tpu.dma_semaphore, #tpu.memory_space<semaphore_mem>>
    tpu.wait_indirect_dma semaphore(%dma_wait3A_331 : memref<!tpu.dma_semaphore, #tpu.memory_space<semaphore_mem>>) src(%dma_wait3A_329 : memref<100000x128xf32, #tpu.memory_space<hbm>>) dst(%dma_wait3A_324 : memref<128x128xf32, #tpu.memory_space<vmem>>)
    %add3A_332 = arith.constant 128 : i32
    %add3A_333 = arith.addi %mul3A_2, %add3A_332 : i32
    %dma_start3A_334 = arith.constant 2 : i32
    %dma_start3A_335 = arith.constant 2 : i32
    %dma_start3A_336 = arith.constant 0 : i32
    %dma_start3A_337 = arith.constant 0 : i32
    %dma_start3A_338 = tpu.memref_slice %arg10[%dma_start3A_334, %dma_start3A_336, %dma_start3A_337] : memref<3x128x128xf32, #tpu.memory_space<vmem>> -> memref<1x128x128xf32, #tpu.memory_space<vmem>>
    %dma_start3A_339 = tpu.memref_squeeze %dma_start3A_338 : memref<1x128x128xf32, #tpu.memory_space<vmem>> -> memref<128x128xf32, #tpu.memory_space<vmem>>
    %dma_start3A_340 = arith.constant 0 : i32
    %dma_start3A_341 = tpu.memref_slice %arg7[%add3A_333, %dma_start3A_340] : memref<16384x128xf32, #tpu.memory_space<hbm>> -> memref<128x128xf32, #tpu.memory_space<hbm>>
    %dma_start3A_342 = tpu.memref_slice %arg12[%dma_start3A_335] : memref<3x!tpu.dma_semaphore, #tpu.memory_space<semaphore_mem>> -> memref<1x!tpu.dma_semaphore, #tpu.memory_space<semaphore_mem>>
    %dma_start3A_343 = tpu.memref_squeeze %dma_start3A_342 : memref<1x!tpu.dma_semaphore, #tpu.memory_space<semaphore_mem>> -> memref<!tpu.dma_semaphore, #tpu.memory_space<semaphore_mem>>
    %dma_start3A_344 = arith.constant 0 : i32
    %dma_start3A_345 = tpu.memref_slice %arg7[%add3A_333, %dma_start3A_344] : memref<16384x128xf32, #tpu.memory_space<hbm>> -> memref<128x128xf32, #tpu.memory_space<hbm>>
    %dma_start3A_346 = arith.constant 0 : i32
    %dma_start3A_347 = arith.constant 0 : i32
    %dma_start3A_348 = tpu.memref_slice %arg10[%dma_start3A_334, %dma_start3A_346, %dma_start3A_347] : memref<3x128x128xf32, #tpu.memory_space<vmem>> -> memref<1x128x128xf32, #tpu.memory_space<vmem>>
    %dma_start3A_349 = tpu.memref_squeeze %dma_start3A_348 : memref<1x128x128xf32, #tpu.memory_space<vmem>> -> memref<128x128xf32, #tpu.memory_space<vmem>>
    tpu.enqueue_dma source(%dma_start3A_349 : memref<128x128xf32, #tpu.memory_space<vmem>>) target(%dma_start3A_345 : memref<128x128xf32, #tpu.memory_space<hbm>>) target_semaphore(%dma_start3A_343 : memref<!tpu.dma_semaphore, #tpu.memory_space<semaphore_mem>>)
    %dma_wait3A_350 = arith.constant 1 : i32
    %dma_wait3A_351 = arith.constant 1 : i32
    %dma_wait3A_352 = arith.constant 0 : i32
    %dma_wait3A_353 = arith.constant 0 : i32
    %dma_wait3A_354 = tpu.memref_slice %arg10[%dma_wait3A_350, %dma_wait3A_352, %dma_wait3A_353] : memref<3x128x128xf32, #tpu.memory_space<vmem>> -> memref<1x128x128xf32, #tpu.memory_space<vmem>>
    %dma_wait3A_355 = tpu.memref_squeeze %dma_wait3A_354 : memref<1x128x128xf32, #tpu.memory_space<vmem>> -> memref<128x128xf32, #tpu.memory_space<vmem>>
    %dma_wait3A_356 = arith.constant 0 : i32
    %dma_wait3A_357 = tpu.memref_slice %arg7[%add3A_273, %dma_wait3A_356] : memref<16384x128xf32, #tpu.memory_space<hbm>> -> memref<128x128xf32, #tpu.memory_space<hbm>>
    %dma_wait3A_358 = tpu.memref_slice %arg12[%dma_wait3A_351] : memref<3x!tpu.dma_semaphore, #tpu.memory_space<semaphore_mem>> -> memref<1x!tpu.dma_semaphore, #tpu.memory_space<semaphore_mem>>
    %dma_wait3A_359 = tpu.memref_squeeze %dma_wait3A_358 : memref<1x!tpu.dma_semaphore, #tpu.memory_space<semaphore_mem>> -> memref<!tpu.dma_semaphore, #tpu.memory_space<semaphore_mem>>
    %dma_wait3A_360 = arith.constant 0 : i32
    %dma_wait3A_361 = tpu.memref_slice %arg7[%add3A_273, %dma_wait3A_360] : memref<16384x128xf32, #tpu.memory_space<hbm>> -> memref<128x128xf32, #tpu.memory_space<hbm>>
    %dma_wait3A_362 = arith.constant 0 : i32
    %dma_wait3A_363 = arith.constant 0 : i32
    %dma_wait3A_364 = tpu.memref_slice %arg10[%dma_wait3A_350, %dma_wait3A_362, %dma_wait3A_363] : memref<3x128x128xf32, #tpu.memory_space<vmem>> -> memref<1x128x128xf32, #tpu.memory_space<vmem>>
    %dma_wait3A_365 = tpu.memref_squeeze %dma_wait3A_364 : memref<1x128x128xf32, #tpu.memory_space<vmem>> -> memref<128x128xf32, #tpu.memory_space<vmem>>
    tpu.wait_dma2 semaphore(%dma_wait3A_359 : memref<!tpu.dma_semaphore, #tpu.memory_space<semaphore_mem>>) src(%dma_wait3A_365 : memref<128x128xf32, #tpu.memory_space<vmem>>) dst(%dma_wait3A_361 : memref<128x128xf32, #tpu.memory_space<hbm>>)
    %dma_start3A_366 = arith.constant 1 : i32
    %dma_start3A_367 = arith.constant 1 : i32
    %dma_start3A_368 = arith.constant 0 : i32
    %dma_start3A_369 = arith.constant 0 : i32
    %dma_start3A_370 = tpu.memref_slice %arg10[%dma_start3A_366, %dma_start3A_368, %dma_start3A_369] : memref<3x128x128xf32, #tpu.memory_space<vmem>> -> memref<1x128x128xf32, #tpu.memory_space<vmem>>
    %dma_start3A_371 = tpu.memref_squeeze %dma_start3A_370 : memref<1x128x128xf32, #tpu.memory_space<vmem>> -> memref<128x128xf32, #tpu.memory_space<vmem>>
    %dma_start3A_372 = arith.constant 384 : i32
    %dma_start3A_373 = tpu.memref_slice %arg9[%dma_start3A_372] : memref<512xi32, #tpu.memory_space<vmem>> -> memref<128xi32, #tpu.memory_space<vmem>>
    %dma_start3A_374 = arith.constant 0 : i32
    %dma_start3A_375 = arith.constant 0 : i32
    %dma_start3A_376 = tpu.memref_slice %arg3[%dma_start3A_374, %dma_start3A_375] : memref<100000x128xf32, #tpu.memory_space<hbm>> -> memref<100000x128xf32, #tpu.memory_space<hbm>>
    %dma_start3A_377 = tpu.memref_slice %arg11[%dma_start3A_367] : memref<3x!tpu.dma_semaphore, #tpu.memory_space<semaphore_mem>> -> memref<1x!tpu.dma_semaphore, #tpu.memory_space<semaphore_mem>>
    %dma_start3A_378 = tpu.memref_squeeze %dma_start3A_377 : memref<1x!tpu.dma_semaphore, #tpu.memory_space<semaphore_mem>> -> memref<!tpu.dma_semaphore, #tpu.memory_space<semaphore_mem>>
    tpu.enqueue_indirect_dma source(%dma_start3A_376 : memref<100000x128xf32, #tpu.memory_space<hbm>>) target(%dma_start3A_371 : memref<128x128xf32, #tpu.memory_space<vmem>>) offsets(%dma_start3A_373 : memref<128xi32, #tpu.memory_space<vmem>>) semaphore(%dma_start3A_378 : memref<!tpu.dma_semaphore, #tpu.memory_space<semaphore_mem>>)
    %dma_wait3A_379 = arith.constant 0 : i32
    %dma_wait3A_380 = arith.constant 0 : i32
    %dma_wait3A_381 = arith.constant 0 : i32
    %dma_wait3A_382 = arith.constant 0 : i32
    %dma_wait3A_383 = tpu.memref_slice %arg10[%dma_wait3A_379, %dma_wait3A_381, %dma_wait3A_382] : memref<3x128x128xf32, #tpu.memory_space<vmem>> -> memref<1x128x128xf32, #tpu.memory_space<vmem>>
    %dma_wait3A_384 = tpu.memref_squeeze %dma_wait3A_383 : memref<1x128x128xf32, #tpu.memory_space<vmem>> -> memref<128x128xf32, #tpu.memory_space<vmem>>
    %dma_wait3A_385 = arith.constant 256 : i32
    %dma_wait3A_386 = tpu.memref_slice %arg9[%dma_wait3A_385] : memref<512xi32, #tpu.memory_space<vmem>> -> memref<128xi32, #tpu.memory_space<vmem>>
    %dma_wait3A_387 = arith.constant 0 : i32
    %dma_wait3A_388 = arith.constant 0 : i32
    %dma_wait3A_389 = tpu.memref_slice %arg3[%dma_wait3A_387, %dma_wait3A_388] : memref<100000x128xf32, #tpu.memory_space<hbm>> -> memref<100000x128xf32, #tpu.memory_space<hbm>>
    %dma_wait3A_390 = tpu.memref_slice %arg11[%dma_wait3A_380] : memref<3x!tpu.dma_semaphore, #tpu.memory_space<semaphore_mem>> -> memref<1x!tpu.dma_semaphore, #tpu.memory_space<semaphore_mem>>
    %dma_wait3A_391 = tpu.memref_squeeze %dma_wait3A_390 : memref<1x!tpu.dma_semaphore, #tpu.memory_space<semaphore_mem>> -> memref<!tpu.dma_semaphore, #tpu.memory_space<semaphore_mem>>
    tpu.wait_indirect_dma semaphore(%dma_wait3A_391 : memref<!tpu.dma_semaphore, #tpu.memory_space<semaphore_mem>>) src(%dma_wait3A_389 : memref<100000x128xf32, #tpu.memory_space<hbm>>) dst(%dma_wait3A_384 : memref<128x128xf32, #tpu.memory_space<vmem>>)
    %add3A_392 = arith.constant 256 : i32
    %add3A_393 = arith.addi %mul3A_2, %add3A_392 : i32
    %dma_start3A_394 = arith.constant 0 : i32
    %dma_start3A_395 = arith.constant 0 : i32
    %dma_start3A_396 = arith.constant 0 : i32
    %dma_start3A_397 = arith.constant 0 : i32
    %dma_start3A_398 = tpu.memref_slice %arg10[%dma_start3A_394, %dma_start3A_396, %dma_start3A_397] : memref<3x128x128xf32, #tpu.memory_space<vmem>> -> memref<1x128x128xf32, #tpu.memory_space<vmem>>
    %dma_start3A_399 = tpu.memref_squeeze %dma_start3A_398 : memref<1x128x128xf32, #tpu.memory_space<vmem>> -> memref<128x128xf32, #tpu.memory_space<vmem>>
    %dma_start3A_400 = arith.constant 0 : i32
    %dma_start3A_401 = tpu.memref_slice %arg7[%add3A_393, %dma_start3A_400] : memref<16384x128xf32, #tpu.memory_space<hbm>> -> memref<128x128xf32, #tpu.memory_space<hbm>>
    %dma_start3A_402 = tpu.memref_slice %arg12[%dma_start3A_395] : memref<3x!tpu.dma_semaphore, #tpu.memory_space<semaphore_mem>> -> memref<1x!tpu.dma_semaphore, #tpu.memory_space<semaphore_mem>>
    %dma_start3A_403 = tpu.memref_squeeze %dma_start3A_402 : memref<1x!tpu.dma_semaphore, #tpu.memory_space<semaphore_mem>> -> memref<!tpu.dma_semaphore, #tpu.memory_space<semaphore_mem>>
    %dma_start3A_404 = arith.constant 0 : i32
    %dma_start3A_405 = tpu.memref_slice %arg7[%add3A_393, %dma_start3A_404] : memref<16384x128xf32, #tpu.memory_space<hbm>> -> memref<128x128xf32, #tpu.memory_space<hbm>>
    %dma_start3A_406 = arith.constant 0 : i32
    %dma_start3A_407 = arith.constant 0 : i32
    %dma_start3A_408 = tpu.memref_slice %arg10[%dma_start3A_394, %dma_start3A_406, %dma_start3A_407] : memref<3x128x128xf32, #tpu.memory_space<vmem>> -> memref<1x128x128xf32, #tpu.memory_space<vmem>>
    %dma_start3A_409 = tpu.memref_squeeze %dma_start3A_408 : memref<1x128x128xf32, #tpu.memory_space<vmem>> -> memref<128x128xf32, #tpu.memory_space<vmem>>
    tpu.enqueue_dma source(%dma_start3A_409 : memref<128x128xf32, #tpu.memory_space<vmem>>) target(%dma_start3A_405 : memref<128x128xf32, #tpu.memory_space<hbm>>) target_semaphore(%dma_start3A_403 : memref<!tpu.dma_semaphore, #tpu.memory_space<semaphore_mem>>)
    %dma_wait3A_410 = arith.constant 1 : i32
    %dma_wait3A_411 = arith.constant 1 : i32
    %dma_wait3A_412 = arith.constant 0 : i32
    %dma_wait3A_413 = arith.constant 0 : i32
    %dma_wait3A_414 = tpu.memref_slice %arg10[%dma_wait3A_410, %dma_wait3A_412, %dma_wait3A_413] : memref<3x128x128xf32, #tpu.memory_space<vmem>> -> memref<1x128x128xf32, #tpu.memory_space<vmem>>
    %dma_wait3A_415 = tpu.memref_squeeze %dma_wait3A_414 : memref<1x128x128xf32, #tpu.memory_space<vmem>> -> memref<128x128xf32, #tpu.memory_space<vmem>>
    %dma_wait3A_416 = arith.constant 384 : i32
    %dma_wait3A_417 = tpu.memref_slice %arg9[%dma_wait3A_416] : memref<512xi32, #tpu.memory_space<vmem>> -> memref<128xi32, #tpu.memory_space<vmem>>
    %dma_wait3A_418 = arith.constant 0 : i32
    %dma_wait3A_419 = arith.constant 0 : i32
    %dma_wait3A_420 = tpu.memref_slice %arg3[%dma_wait3A_418, %dma_wait3A_419] : memref<100000x128xf32, #tpu.memory_space<hbm>> -> memref<100000x128xf32, #tpu.memory_space<hbm>>
    %dma_wait3A_421 = tpu.memref_slice %arg11[%dma_wait3A_411] : memref<3x!tpu.dma_semaphore, #tpu.memory_space<semaphore_mem>> -> memref<1x!tpu.dma_semaphore, #tpu.memory_space<semaphore_mem>>
    %dma_wait3A_422 = tpu.memref_squeeze %dma_wait3A_421 : memref<1x!tpu.dma_semaphore, #tpu.memory_space<semaphore_mem>> -> memref<!tpu.dma_semaphore, #tpu.memory_space<semaphore_mem>>
    tpu.wait_indirect_dma semaphore(%dma_wait3A_422 : memref<!tpu.dma_semaphore, #tpu.memory_space<semaphore_mem>>) src(%dma_wait3A_420 : memref<100000x128xf32, #tpu.memory_space<hbm>>) dst(%dma_wait3A_415 : memref<128x128xf32, #tpu.memory_space<vmem>>)
    %add3A_423 = arith.constant 384 : i32
    %add3A_424 = arith.addi %mul3A_2, %add3A_423 : i32
    %dma_start3A_425 = arith.constant 1 : i32
    %dma_start3A_426 = arith.constant 1 : i32
    %dma_start3A_427 = arith.constant 0 : i32
    %dma_start3A_428 = arith.constant 0 : i32
    %dma_start3A_429 = tpu.memref_slice %arg10[%dma_start3A_425, %dma_start3A_427, %dma_start3A_428] : memref<3x128x128xf32, #tpu.memory_space<vmem>> -> memref<1x128x128xf32, #tpu.memory_space<vmem>>
    %dma_start3A_430 = tpu.memref_squeeze %dma_start3A_429 : memref<1x128x128xf32, #tpu.memory_space<vmem>> -> memref<128x128xf32, #tpu.memory_space<vmem>>
    %dma_start3A_431 = arith.constant 0 : i32
    %dma_start3A_432 = tpu.memref_slice %arg7[%add3A_424, %dma_start3A_431] : memref<16384x128xf32, #tpu.memory_space<hbm>> -> memref<128x128xf32, #tpu.memory_space<hbm>>
    %dma_start3A_433 = tpu.memref_slice %arg12[%dma_start3A_426] : memref<3x!tpu.dma_semaphore, #tpu.memory_space<semaphore_mem>> -> memref<1x!tpu.dma_semaphore, #tpu.memory_space<semaphore_mem>>
    %dma_start3A_434 = tpu.memref_squeeze %dma_start3A_433 : memref<1x!tpu.dma_semaphore, #tpu.memory_space<semaphore_mem>> -> memref<!tpu.dma_semaphore, #tpu.memory_space<semaphore_mem>>
    %dma_start3A_435 = arith.constant 0 : i32
    %dma_start3A_436 = tpu.memref_slice %arg7[%add3A_424, %dma_start3A_435] : memref<16384x128xf32, #tpu.memory_space<hbm>> -> memref<128x128xf32, #tpu.memory_space<hbm>>
    %dma_start3A_437 = arith.constant 0 : i32
    %dma_start3A_438 = arith.constant 0 : i32
    %dma_start3A_439 = tpu.memref_slice %arg10[%dma_start3A_425, %dma_start3A_437, %dma_start3A_438] : memref<3x128x128xf32, #tpu.memory_space<vmem>> -> memref<1x128x128xf32, #tpu.memory_space<vmem>>
    %dma_start3A_440 = tpu.memref_squeeze %dma_start3A_439 : memref<1x128x128xf32, #tpu.memory_space<vmem>> -> memref<128x128xf32, #tpu.memory_space<vmem>>
    tpu.enqueue_dma source(%dma_start3A_440 : memref<128x128xf32, #tpu.memory_space<vmem>>) target(%dma_start3A_436 : memref<128x128xf32, #tpu.memory_space<hbm>>) target_semaphore(%dma_start3A_434 : memref<!tpu.dma_semaphore, #tpu.memory_space<semaphore_mem>>)
    %dma_wait3A_441 = arith.constant 2 : i32
    %dma_wait3A_442 = arith.constant 2 : i32
    %dma_wait3A_443 = arith.constant 0 : i32
    %dma_wait3A_444 = arith.constant 0 : i32
    %dma_wait3A_445 = tpu.memref_slice %arg10[%dma_wait3A_441, %dma_wait3A_443, %dma_wait3A_444] : memref<3x128x128xf32, #tpu.memory_space<vmem>> -> memref<1x128x128xf32, #tpu.memory_space<vmem>>
    %dma_wait3A_446 = tpu.memref_squeeze %dma_wait3A_445 : memref<1x128x128xf32, #tpu.memory_space<vmem>> -> memref<128x128xf32, #tpu.memory_space<vmem>>
    %dma_wait3A_447 = arith.constant 0 : i32
    %dma_wait3A_448 = tpu.memref_slice %arg7[%add3A_333, %dma_wait3A_447] : memref<16384x128xf32, #tpu.memory_space<hbm>> -> memref<128x128xf32, #tpu.memory_space<hbm>>
    %dma_wait3A_449 = tpu.memref_slice %arg12[%dma_wait3A_442] : memref<3x!tpu.dma_semaphore, #tpu.memory_space<semaphore_mem>> -> memref<1x!tpu.dma_semaphore, #tpu.memory_space<semaphore_mem>>
    %dma_wait3A_450 = tpu.memref_squeeze %dma_wait3A_449 : memref<1x!tpu.dma_semaphore, #tpu.memory_space<semaphore_mem>> -> memref<!tpu.dma_semaphore, #tpu.memory_space<semaphore_mem>>
    %dma_wait3A_451 = arith.constant 0 : i32
    %dma_wait3A_452 = tpu.memref_slice %arg7[%add3A_333, %dma_wait3A_451] : memref<16384x128xf32, #tpu.memory_space<hbm>> -> memref<128x128xf32, #tpu.memory_space<hbm>>
    %dma_wait3A_453 = arith.constant 0 : i32
    %dma_wait3A_454 = arith.constant 0 : i32
    %dma_wait3A_455 = tpu.memref_slice %arg10[%dma_wait3A_441, %dma_wait3A_453, %dma_wait3A_454] : memref<3x128x128xf32, #tpu.memory_space<vmem>> -> memref<1x128x128xf32, #tpu.memory_space<vmem>>
    %dma_wait3A_456 = tpu.memref_squeeze %dma_wait3A_455 : memref<1x128x128xf32, #tpu.memory_space<vmem>> -> memref<128x128xf32, #tpu.memory_space<vmem>>
    tpu.wait_dma2 semaphore(%dma_wait3A_450 : memref<!tpu.dma_semaphore, #tpu.memory_space<semaphore_mem>>) src(%dma_wait3A_456 : memref<128x128xf32, #tpu.memory_space<vmem>>) dst(%dma_wait3A_452 : memref<128x128xf32, #tpu.memory_space<hbm>>)
    %dma_wait3A_457 = arith.constant 0 : i32
    %dma_wait3A_458 = arith.constant 0 : i32
    %dma_wait3A_459 = arith.constant 0 : i32
    %dma_wait3A_460 = arith.constant 0 : i32
    %dma_wait3A_461 = tpu.memref_slice %arg10[%dma_wait3A_457, %dma_wait3A_459, %dma_wait3A_460] : memref<3x128x128xf32, #tpu.memory_space<vmem>> -> memref<1x128x128xf32, #tpu.memory_space<vmem>>
    %dma_wait3A_462 = tpu.memref_squeeze %dma_wait3A_461 : memref<1x128x128xf32, #tpu.memory_space<vmem>> -> memref<128x128xf32, #tpu.memory_space<vmem>>
    %dma_wait3A_463 = arith.constant 0 : i32
    %dma_wait3A_464 = tpu.memref_slice %arg7[%add3A_393, %dma_wait3A_463] : memref<16384x128xf32, #tpu.memory_space<hbm>> -> memref<128x128xf32, #tpu.memory_space<hbm>>
    %dma_wait3A_465 = tpu.memref_slice %arg12[%dma_wait3A_458] : memref<3x!tpu.dma_semaphore, #tpu.memory_space<semaphore_mem>> -> memref<1x!tpu.dma_semaphore, #tpu.memory_space<semaphore_mem>>
    %dma_wait3A_466 = tpu.memref_squeeze %dma_wait3A_465 : memref<1x!tpu.dma_semaphore, #tpu.memory_space<semaphore_mem>> -> memref<!tpu.dma_semaphore, #tpu.memory_space<semaphore_mem>>
    %dma_wait3A_467 = arith.constant 0 : i32
    %dma_wait3A_468 = tpu.memref_slice %arg7[%add3A_393, %dma_wait3A_467] : memref<16384x128xf32, #tpu.memory_space<hbm>> -> memref<128x128xf32, #tpu.memory_space<hbm>>
    %dma_wait3A_469 = arith.constant 0 : i32
    %dma_wait3A_470 = arith.constant 0 : i32
    %dma_wait3A_471 = tpu.memref_slice %arg10[%dma_wait3A_457, %dma_wait3A_469, %dma_wait3A_470] : memref<3x128x128xf32, #tpu.memory_space<vmem>> -> memref<1x128x128xf32, #tpu.memory_space<vmem>>
    %dma_wait3A_472 = tpu.memref_squeeze %dma_wait3A_471 : memref<1x128x128xf32, #tpu.memory_space<vmem>> -> memref<128x128xf32, #tpu.memory_space<vmem>>
    tpu.wait_dma2 semaphore(%dma_wait3A_466 : memref<!tpu.dma_semaphore, #tpu.memory_space<semaphore_mem>>) src(%dma_wait3A_472 : memref<128x128xf32, #tpu.memory_space<vmem>>) dst(%dma_wait3A_468 : memref<128x128xf32, #tpu.memory_space<hbm>>)
    %dma_wait3A_473 = arith.constant 1 : i32
    %dma_wait3A_474 = arith.constant 1 : i32
    %dma_wait3A_475 = arith.constant 0 : i32
    %dma_wait3A_476 = arith.constant 0 : i32
    %dma_wait3A_477 = tpu.memref_slice %arg10[%dma_wait3A_473, %dma_wait3A_475, %dma_wait3A_476] : memref<3x128x128xf32, #tpu.memory_space<vmem>> -> memref<1x128x128xf32, #tpu.memory_space<vmem>>
    %dma_wait3A_478 = tpu.memref_squeeze %dma_wait3A_477 : memref<1x128x128xf32, #tpu.memory_space<vmem>> -> memref<128x128xf32, #tpu.memory_space<vmem>>
    %dma_wait3A_479 = arith.constant 0 : i32
    %dma_wait3A_480 = tpu.memref_slice %arg7[%add3A_424, %dma_wait3A_479] : memref<16384x128xf32, #tpu.memory_space<hbm>> -> memref<128x128xf32, #tpu.memory_space<hbm>>
    %dma_wait3A_481 = tpu.memref_slice %arg12[%dma_wait3A_474] : memref<3x!tpu.dma_semaphore, #tpu.memory_space<semaphore_mem>> -> memref<1x!tpu.dma_semaphore, #tpu.memory_space<semaphore_mem>>
    %dma_wait3A_482 = tpu.memref_squeeze %dma_wait3A_481 : memref<1x!tpu.dma_semaphore, #tpu.memory_space<semaphore_mem>> -> memref<!tpu.dma_semaphore, #tpu.memory_space<semaphore_mem>>
    %dma_wait3A_483 = arith.constant 0 : i32
    %dma_wait3A_484 = tpu.memref_slice %arg7[%add3A_424, %dma_wait3A_483] : memref<16384x128xf32, #tpu.memory_space<hbm>> -> memref<128x128xf32, #tpu.memory_space<hbm>>
    %dma_wait3A_485 = arith.constant 0 : i32
    %dma_wait3A_486 = arith.constant 0 : i32
    %dma_wait3A_487 = tpu.memref_slice %arg10[%dma_wait3A_473, %dma_wait3A_485, %dma_wait3A_486] : memref<3x128x128xf32, #tpu.memory_space<vmem>> -> memref<1x128x128xf32, #tpu.memory_space<vmem>>
    %dma_wait3A_488 = tpu.memref_squeeze %dma_wait3A_487 : memref<1x128x128xf32, #tpu.memory_space<vmem>> -> memref<128x128xf32, #tpu.memory_space<vmem>>
    tpu.wait_dma2 semaphore(%dma_wait3A_482 : memref<!tpu.dma_semaphore, #tpu.memory_space<semaphore_mem>>) src(%dma_wait3A_488 : memref<128x128xf32, #tpu.memory_space<vmem>>) dst(%dma_wait3A_484 : memref<128x128xf32, #tpu.memory_space<hbm>>)
    return
  }
}

</mosaic_0001>

<sc_bundles>
// kernel: _sc_gather.3.cloned.1.call-start
scs
__scs_entry_jumppad:
0x0: {  	(pc) =	sbr.rel $0x88, $3  }
0x1: {  	(tag) =	ssettag $0x0;
	lr =	simm.s32 $0x1  }
0x2: {  	[smem:$0x3F9D] =	sst lr;
	_ =	strace $0xD0000000  }
0x3: {  	_ = 	snop  }
0x4: {  	_ = 	snop  }
0x5: {  	_ = 	snop  }
0x6: {  	_ = 	snop  }
0x7: {  	_ = 	snop  }
__scs_overlays_trampoline_lowered:
0x8: {  	[smem:$0x3FAC] =	sst s0  }
0x9: {  	[smem:$0x3FAD] =	sst s1  }
0xa: {  	[smem:$0x3FAE] =	sst s2  }
0xb: {  	[smem:$0x3FAF] =	sst s3  }
0xc: {  	[smem:$0x3FB0] =	sst s4  }
0xd: {  	[smem:$0x3FB1] =	sst s5  }
0xe: {  	[smem:$0x3FB2] =	sst s6  }
0xf: {  	[smem:$0x3FB3] =	sst s7  }
0x10: {  	[smem:$0x3FB4] =	sst s8  }
0x11: {  	[smem:$0x3FB5] =	sst s9;
	s0 =	simm.s32 @!p0 $0x0  }
0x12: {  	s1 =	sld [smem:$0x3F9B];
	s0 =	simm.s32 @p0 $0x1  }
0x13: {  	[smem:$0x3FB6] =	sst s0;
	s0 =	simm.s32 @!p1 $0x0  }
0x14: {  	s2 =	sld [smem:$0x3F9A];
	s0 =	simm.s32 @p1 $0x1  }
0x15: {  	[smem:$0x3FB7] =	sst s0;
	s0 =	simm.s32 @!p2 $0x0  }
0x16: {  	s3 =	sld [smem:$0x3FDB];
	s0 =	simm.s32 @p2 $0x1  }
0x17: {  	s4 =	simm.s32 $0x1BF5;
	[smem:$0x3FB9] =	sst s0  }
0x18: {  	s0 =	sld [smem:$0x3F9C];
	_ =	swait.ge [sflag:s4], $0x0  }
0x19: {  	s7 =	sld [smem:$0x3F9D]  }
0x1a: {  	s8 =	sadd.s32 $0xFFFFE003, lr  }
0x1b: {  	s9 =	sadd.s32 $0xFFFFFEF7, lr;
	s5 =	simm.s32 $0xFFFFFFFF;
	p2 =	slt.u32 s8, $0xFFFFF086  }
0x1c: {  	p1 =	slt.u32 s9, $0xF7A;
	s5 =	simm.s32 @!p2 $0x0  }
0x1d: {  	s5 =	simm.s32 @p1 $0x1;
	p0 =	seq.s32 s7, s2  }
0x1e: {  	s7 =	smul.u32 @!p0 $0xF7A, s2;
	p2 =	seq.s32 @!p0 s5, $0x0  }
0x1f: {  	s9 =	smul.u32 $0xF7A, s1;
	s8 =	simm.s32 @!p0 $0x1BF5;
	p2 =	por !p2, p0  }
0x20: {  	[sflag:s8] =	ssyncset.s32 @!p0 $0xFFFFF086;
	s6 =	sadd.s32 @!p0 s3, s7;
	s7 =	simm.s32 @!p0 $0x108  }
0x21: {  	s3 =	sadd.s32 s3, s9;
	s6 =	sadd.s32 @!p0 $0x88, s6;
	s7 =	simm.s32 @p2 $0x1082  }
0x22: {  	[simem:s7], [sflag:s8] =	dma.local @!p0 [hbm:s6], $0xF7A  }
0x23: {  	s9 =	sor.u32 $0xD0000000, s2;
	s6 =	simm.s32 $0x108;
	_ =	swait.ge @!p0 [sflag:s8], $0x0  }
0x24: {  	s3 =	sadd.s32 $0x88, s3;
	s6 =	simm.s32 @!p1 $0x1082;
	[sflag:s4] =	ssyncset.s32 $0xFFFFF086  }
0x25: {  	[simem:s6], [sflag:s4] =	dma.local [hbm:s3], $0xF7A  }
0x26: {  	[smem:$0x3F9D] =	sst s1;
	(tag) =	ssettag s2;
	_ =	strace s9  }
0x27: {  	s1 =	sld [smem:$0x3FAD]  }
0x28: {  	s2 =	sld [smem:$0x3FAE]  }
0x29: {  	s4 =	sld [smem:$0x3FB0]  }
0x2a: {  	p0 =	seq.s32 s5, $0x0;
	s5 =	sld [smem:$0x3FB1]  }
0x2b: {  	s6 =	sld [smem:$0x3FB2]  }
0x2c: {  	s7 =	sld [smem:$0x3FB3]  }
0x2d: {  	s3 =	simm.s32 $0x108;
	s8 =	sld [smem:$0x3FB4]  }
0x2e: {  	s3 =	simm.s32 @!p0 $0x1082;
	s9 =	sld [smem:$0x3FB5]  }
0x2f: {  	lr =	sadd.s32 s0, s3;
	s0 =	sld [smem:$0x3FAC]  }
0x30: {  	s3 =	sld [smem:$0x3FAF]  }
0x31: {  	[smem:$0x3FB8] =	sst s10  }
0x32: {  	s10 =	sld [smem:$0x3FB6];
	_ =	sdelay $0x3  }
0x33: {  	p0 =	seq.s32 s10, $0x1;
	s10 =	sld [smem:$0x3FB8];
	_ =	sdelay $0x3  }
0x34: {  	[smem:$0x3FB8] =	sst s10  }
0x35: {  	s10 =	sld [smem:$0x3FB7];
	_ =	sdelay $0x3  }
0x36: {  	p1 =	seq.s32 s10, $0x1;
	s10 =	sld [smem:$0x3FB8];
	_ =	sdelay $0x3  }
0x37: {  	[smem:$0x3FB8] =	sst s10  }
0x38: {  	s10 =	sld [smem:$0x3FB9]  }
0x39: {  	_ = 	snop;
	(pc) =	sbr.ind lr, $3  }
0x3a: {  	_ = 	snop  }
0x3b: {  	_ = 	snop  }
0x3c: {  	p2 =	seq.s32 s10, $0x1;
	s10 =	sld [smem:$0x3FB8]  }
0x3d: {  	_ =	shalt  }
0x3e: {  	_ =	shalt  }
0x3f: {  	_ =	shalt  }
0x40: {  	_ =	shalt  }
0x41: {  	_ =	shalt  }
0x42: {  	_ =	shalt  }
0x43: {  	_ =	shalt  }
0x44: {  	_ =	shalt  }
0x45: {  	_ =	shalt  }
0x46: {  	_ =	shalt  }
0x47: {  	_ =	shalt  }
0x48: {  	_ =	shalt  }
0x49: {  	_ =	shalt  }
0x4a: {  	_ =	shalt  }
0x4b: {  	_ =	shalt  }
0x4c: {  	_ =	shalt  }
0x4d: {  	_ =	shalt  }
0x4e: {  	_ =	shalt  }
0x4f: {  	_ =	shalt  }
0x50: {  	_ =	shalt  }
0x51: {  	_ =	shalt  }
0x52: {  	_ =	shalt  }
0x53: {  	_ =	shalt  }
0x54: {  	_ =	shalt  }
0x55: {  	_ =	shalt  }
0x56: {  	_ =	shalt  }
0x57: {  	_ =	shalt  }
0x58: {  	_ =	shalt  }
0x59: {  	_ =	shalt  }
0x5a: {  	_ =	shalt  }
0x5b: {  	_ =	shalt  }
0x5c: {  	_ =	shalt  }
0x5d: {  	_ =	shalt  }
0x5e: {  	_ =	shalt  }
0x5f: {  	_ =	shalt  }
0x60: {  	_ =	shalt  }
0x61: {  	_ =	shalt  }
0x62: {  	_ =	shalt  }
0x63: {  	_ =	shalt  }
0x64: {  	_ =	shalt  }
0x65: {  	_ =	shalt  }
0x66: {  	_ =	shalt  }
0x67: {  	_ =	shalt  }
0x68: {  	_ =	shalt  }
0x69: {  	_ =	shalt  }
0x6a: {  	_ =	shalt  }
0x6b: {  	_ =	shalt  }
0x6c: {  	_ =	shalt  }
0x6d: {  	_ =	shalt  }
0x6e: {  	_ =	shalt  }
0x6f: {  	_ =	shalt  }
0x70: {  	_ =	shalt  }
0x71: {  	_ =	shalt  }
0x72: {  	_ =	shalt  }
0x73: {  	_ =	shalt  }
0x74: {  	_ =	shalt  }
0x75: {  	_ =	shalt  }
0x76: {  	_ =	shalt  }
0x77: {  	_ =	shalt  }
0x78: {  	_ =	shalt  }
0x79: {  	_ =	shalt  }
0x7a: {  	_ =	shalt  }
0x7b: {  	_ =	shalt  }
0x7c: {  	_ =	shalt  }
0x7d: {  	_ =	shalt  }
0x7e: {  	_ =	shalt  }
0x7f: {  	_ =	shalt  }
0x80: {  	_ =	shalt  }
0x81: {  	_ =	shalt  }
0x82: {  	_ =	shalt  }
0x83: {  	_ =	shalt  }
0x84: {  	_ =	shalt  }
0x85: {  	_ =	shalt  }
0x86: {  	_ =	shalt  }
0x87: {  	_ =	shalt  }
.Lfunc_end0:
.L_simem_size_0:
called_computation_lowered:
.L_overlay_start_0:
0x88: {  	s2 =	sld [smem:$0x3FD9]  }
0x89: {  	s3 =	sld [smem:$0x3FFE];
	_ =	sdelay $0x1  }
0x8a: {  	s1 =	srdreg.scid  }
0x8b: {  	s0 =	sand.u32 $0x1, s1  }
0x8c: {  	s15 =	sshll.u32 s0, $0xA;
	s2 =	sadd.s32 s3, s2  }
0x8d: {  	s2 =	sadd.s32 s2, s15  }
0x8e: {  	[smem:$0x3FC4] =	sst s2  }
0x8f: {  	_ = 	snop  }
0x90: {  	s2 =	sld [smem:$0x3FC9]  }
0x91: {  	s16 =	sld [smem:$0x3FD0]  }
0x92: {  	s4 =	sld [smem:$0x3FC8]  }
0x93: {  	s5 =	sld [smem:$0x3FC7]  }
0x94: {  	s7 =	simm.s32 $0xA;
	s8 =	simm.s32 $0x10;
	s6 =	sld [smem:$0x3FC6]  }
0x95: {  	[smem:s8], [sflag:s7] =	dma.local [hbm:s16], $0x1  }
0x96: {  	_ =	swait.eq [sflag:s7], $0x1  }
0x97: {  	[sflag:s7] =	ssyncset.done $0x0  }
0x98: {  	s17 =	sld [smem:$0x10];
	[sflag:s7] =	ssyncadd.s32 $0xFFFFFFFF  }
0x99: {  	s18 =	sld [smem:$0x11];
	(tm) =	ssettm $0x1  }
0x9a: {  	s19 =	sld [smem:$0x3FFB];
	_ =	sdelay $0x3  }
0x9b: {  	_ =	strace s19  }
0x9c: {  	s8 =	sld [smem:$0x3FFC];
	_ =	sdelay $0x3  }
0x9d: {  	_ =	strace s8  }
0x9e: {  	s8 =	sld [smem:$0x3FFD];
	_ =	sdelay $0x3  }
0x9f: {  	_ =	strace s8  }
0xa0: {  	_ =	strace $0x8FFFFFFF  }
0xa1: {  	s20 =	sld [smem:$0x3FDB];
	_ =	sdelay $0x1  }
0xa2: {  	s9 =	simm.s32 $_scs_section_size  }
0xa3: {  	s10 =	simm.s32 $_size__tile_overlayer_lowered;
	s11 =	simm.s32 $_tile_overlayer_lowered  }
0xa4: {  	s23 =	simm.s32 $0x1BFF;
	s22 =	sshll.u32 s11, $0x1;
	s8 =	sadd.s32 s9, s20  }
0xa5: {  	s12 =	simm.s32 $0x0;
	s21 =	sshll.u32 s10, $0x1;
	s10 =	sadd.s32 s22, s8  }
0xa6: {  	[timem:s12], [sflag:s23] =	dma.local [hbm:s10], s21  }
0xa7: {  	_ =	swait.ge [sflag:s23], s21  }
0xa8: {  	s9 =	ssub.s32 $0x0, s21;
	[sflag:s23] =	ssyncset.done $0x0  }
0xa9: {  	[sflag:s23] =	ssyncadd.s32 s9;
	_ =	sdelay $0x1  }
0xaa: {  	s24 =	simm.s32 $0x1B8B  }
0xab: {  	_ =	swait.ge [sflag:s24], $0x1  }
0xac: {  	[sflag:s24] =	ssyncset.done $0x0  }
0xad: {  	s25 =	simm.s32 $0x1B8E;
	[sflag:s24] =	ssyncadd.s32 $0xFFFFFFFF  }
0xae: {  	s26 =	simm.s32 $execute0_lowered;
	[smem:$0x3FD2] =	sst s25  }
0xaf: {  	s9 =	sshll.u32 s26, $0x1;
	_ =	strace $0x80000046;
	[dreg:$0x1] =	wrdreg $0xFFFFFFFF  }
0xb0: {  	s28 =	simm.s32 $_size_execute0_lowered;
	s8 =	sadd.s32 s8, s9;
	[dreg:$0x0] =	wrdreg $0x0  }
0xb1: {  	s9 =	sshll.u32 s28, $0x1;
	[dreg:$0x2] =	wrdreg s8  }
0xb2: {  	[dreg:$0x3] =	wrdreg s9  }
0xb3: {  	[dreg:$0x4] =	wrdreg $0xC0  }
0xb4: {  	_ =	task [dreg:s12], $0x5FFFF  }
0xb5: {  	[dreg:$0x1] =	wrdreg $0xFFFFFFFF  }
0xb6: {  	[dreg:$0x0] =	wrdreg $0x60  }
0xb7: {  	[dreg:$0x2] =	wrdreg s2  }
0xb8: {  	[dreg:$0x3] =	wrdreg s4  }
0xb9: {  	[dreg:$0x4] =	wrdreg s5  }
0xba: {  	[dreg:$0x5] =	wrdreg s6  }
0xbb: {  	[dreg:$0x6] =	wrdreg s17  }
0xbc: {  	[dreg:$0x7] =	wrdreg s18  }
0xbd: {  	[dreg:$0x8] =	wrdreg $0x9  }
0xbe: {  	_ =	task.clear_ibuf [dreg:s12], $0x9FFFF;
	_ =	strace $0x90000046  }
0xbf: {  	s29 =	simm.s32 $0x9;
	_ =	strace $0x80000048  }
0xc0: {  	_ =	swait.ge [sflag:s29], $0x1  }
0xc1: {  	[sflag:s29] =	ssyncadd.s32 $0xFFFFFFFF  }
0xc2: {  	_ =	strace $0x90000048  }
0xc3: {  	_ =	sfence  }
0xc4: {  	s30 =	sld [smem:$0x0];
	_ =	sdelay $0x2  }
0xc5: {  	s31 =	sshll.u32 s1, $0xD;
	s1 =	sshrl.u32 s1, $0x2  }
0xc6: {  	s3 =	sand.u32 $0x4000, s31;
	s1 =	sadd.s32 s1, s30  }
0xc7: {  	s0 =	sor.u32 s3, s0;
	s1 =	sshll.u32 s1, $0x11  }
0xc8: {  	s0 =	sor.u32 s1, s0  }
0xc9: {  	s0 =	sadd.s32 $0x8F2B, s0  }
0xca: {  	[sflag:s0] =	ssyncadd.remote.s32 $0x1  }
0xcb: {  	_ =	sfence.sel $0xFFFF  }
0xcc: {  	[dreg:$0x0] =	wrdreg $0xFFFFFFFF;
	(pc) =	sbr.abs _section_cstart, $3  }
0xcd: {  	[dreg:$0x1] =	wrdreg $0xFFFFFFFF  }
0xce: {  	_ =	task.clear_ibuf [dreg:s12], $0x2FFFF;
	_ =	strace $0x9FFFFFFF  }
0xcf: {  	(tm) =	ssettm $0x7FFFFFFF  }
tec
execute0_lowered:
.L_overlay_start_1:
0x0: {  	(tag) =	ssettag $0x1  }
0x1: {  	s1 =	rddreg [dreg:$0x0]  }
0x2: {  	s2 =	rddreg [dreg:$0x1];
	s3 =	srdreg.scid  }
0x3: {  	s5 =	rddreg [dreg:$0x2];
	s0 =	stileid.u32;
	s3 =	sand.u32 $0x1, s3  }
0x4: {  	s6 =	rddreg [dreg:$0x3];
	s7 =	sshll.u32 s0, $0xA;
	s8 =	sshll.u32 s3, $0x9  }
0x5: {  	s22 =	rddreg [dreg:$0x4];
	s12 =	sor.u32 s8, s7  }
0x6: {  	s31 =	rddreg [dreg:$0x5];
	s4 =	simm.s32 $0x0;
	s7 =	sshrl.u32 s12, $0x3  }
0x7: {  	[smem:$0x7FF] =	sst s4;
	s5 =	sadd.s32 s5, s7  }
0x8: {  	_ =	strace $0x80000047;
	[dreg:$0x7] =	wrdreg s5  }
0x9: {  	s5 =	rddreg [dreg:$0x7]  }
0xa: {  	[tilespmem:s4], [sflag:$0x7] =	stream.linear.gather [hbm4b:s5+s4], $0x200, $0x38;
	[tilespmem:$0xC400] =	vst v63  }
0xb: {  	s5 =	sadd.s32 s6, s7;
	s6 =	simm.s32 $0x200;
	s7 =	simm.s32 $0x7  }
0xc: {  	[tilespmem:s6], [sflag:$0x7] =	stream.linear.gather [hbm4b:s5+s4], $0x200, $0x38;
	[tilespmem:$0xC400] =	vst v63  }
0xd: {  	_ =	swait.ge [sflag:s7], $0x200  }
0xe: {  	[sflag:s7] =	ssyncset.done $0x0  }
0xf: {  	[sflag:s7] =	ssyncadd.s32 $0xFFFFFE00  }
0x10: {  	_ =	swait.ge [sflag:s7], $0x200  }
0x11: {  	[sflag:s7] =	ssyncset.done $0x0  }
0x12: {  	s9 =	simm.s32 $0x400;
	s8 =	simm.s32 $0x80;
	[sflag:s7] =	ssyncadd.s32 $0xFFFFFE00  }
0x13: {  	[tilespmem:s9], [sflag:$0x1] =	stream.indirect.gather [hbm4b:s1+s8], $0x80, s4, s8, $0xb8;
	[tilespmem:$0xC400] =	vst v63  }
0x14: {  	s10 =	simm.s32 $0x4400;
	s11 =	simm.s32 $0x1  }
0x15: {  	[tilespmem:s10], [sflag:$0x2] =	stream.indirect.gather [hbm4b:s1+s8], $0x80, s8, s8, $0xb8;
	[tilespmem:$0xC400] =	vst v63  }
0x16: {  	_ =	swait.ge [sflag:s11], $0x4000  }
0x17: {  	s25 =	sshll.u32 s12, $0x4;
	[sflag:s11] =	ssyncset.done $0x0  }
0x18: {  	s12 =	sadd.s32 s22, s25;
	[sflag:s11] =	ssyncadd.s32 $0xFFFFC000  }
0x19: {  	[hbm4b:s12+s4] =	stream.linear.scatter [tilespmem:s9], [sflag:$0x4], $0x4000, $0x38;
	[tilespmem:$0xC400] =	vst v63  }
0x1a: {  	s13 =	simm.s32 $0x100;
	s14 =	simm.s32 $0x8400;
	s15 =	simm.s32 $0x2  }
0x1b: {  	[tilespmem:s14], [sflag:$0x3] =	stream.indirect.gather [hbm4b:s1+s8], $0x80, s13, s8, $0xb8;
	[tilespmem:$0xC400] =	vst v63  }
0x1c: {  	_ =	swait.ge [sflag:s15], $0x4000  }
0x1d: {  	s28 =	sor.u32 $0x800, s25;
	[sflag:s15] =	ssyncset.done $0x0  }
0x1e: {  	s17 =	simm.s32 $0x4;
	s16 =	sadd.s32 s22, s28;
	[sflag:s15] =	ssyncadd.s32 $0xFFFFC000  }
0x1f: {  	[hbm4b:s16+s4] =	stream.linear.scatter [tilespmem:s10], [sflag:$0x5], $0x4000, $0x38;
	[tilespmem:$0xC400] =	vst v63  }
0x20: {  	_ =	swait.ge [sflag:s17], $0x4000  }
0x21: {  	[sflag:s17] =	ssyncset.done $0x0  }
0x22: {  	s18 =	simm.s32 $0x180;
	s19 =	simm.s32 $0x3;
	[sflag:s17] =	ssyncadd.s32 $0xFFFFC000  }
0x23: {  	[tilespmem:s9], [sflag:$0x1] =	stream.indirect.gather [hbm4b:s1+s8], $0x80, s18, s8, $0xb8;
	[tilespmem:$0xC400] =	vst v63  }
0x24: {  	_ =	swait.ge [sflag:s19], $0x4000  }
0x25: {  	s30 =	sor.u32 $0x1000, s25;
	[sflag:s19] =	ssyncset.done $0x0  }
0x26: {  	s20 =	simm.s32 $0x5;
	s21 =	sadd.s32 s22, s30;
	[sflag:s19] =	ssyncadd.s32 $0xFFFFC000  }
0x27: {  	[hbm4b:s21+s4] =	stream.linear.scatter [tilespmem:s14], [sflag:$0x6], $0x4000, $0x38;
	[tilespmem:$0xC400] =	vst v63  }
0x28: {  	_ =	swait.ge [sflag:s20], $0x4000  }
0x29: {  	[sflag:s20] =	ssyncset.done $0x0  }
0x2a: {  	[sflag:s20] =	ssyncadd.s32 $0xFFFFC000  }
0x2b: {  	[tilespmem:s10], [sflag:$0x2] =	stream.indirect.gather [hbm4b:s2+s8], $0x80, s6, s8, $0xb8;
	[tilespmem:$0xC400] =	vst v63  }
0x2c: {  	_ =	swait.ge [sflag:s11], $0x4000  }
0x2d: {  	s0 =	sor.u32 $0x1800, s25;
	[sflag:s11] =	ssyncset.done $0x0  }
0x2e: {  	s23 =	simm.s32 $0x6;
	s22 =	sadd.s32 s22, s0;
	[sflag:s11] =	ssyncadd.s32 $0xFFFFC000  }
0x2f: {  	[hbm4b:s22+s4] =	stream.linear.scatter [tilespmem:s9], [sflag:$0x4], $0x4000, $0x38;
	[tilespmem:$0xC400] =	vst v63  }
0x30: {  	_ =	swait.ge [sflag:s23], $0x4000  }
0x31: {  	[sflag:s23] =	ssyncset.done $0x0  }
0x32: {  	s24 =	simm.s32 $0x280;
	[sflag:s23] =	ssyncadd.s32 $0xFFFFC000  }
0x33: {  	[tilespmem:s14], [sflag:$0x3] =	stream.indirect.gather [hbm4b:s2+s8], $0x80, s24, s8, $0xb8;
	[tilespmem:$0xC400] =	vst v63  }
0x34: {  	_ =	swait.ge [sflag:s15], $0x4000  }
0x35: {  	[sflag:s15] =	ssyncset.done $0x0  }
0x36: {  	s25 =	sadd.s32 s31, s25;
	[sflag:s15] =	ssyncadd.s32 $0xFFFFC000  }
0x37: {  	[hbm4b:s25+s4] =	stream.linear.scatter [tilespmem:s10], [sflag:$0x5], $0x4000, $0x38;
	[tilespmem:$0xC400] =	vst v63  }
0x38: {  	_ =	swait.ge [sflag:s17], $0x4000  }
0x39: {  	[sflag:s17] =	ssyncset.done $0x0  }
0x3a: {  	s26 =	simm.s32 $0x300;
	[sflag:s17] =	ssyncadd.s32 $0xFFFFC000  }
0x3b: {  	[tilespmem:s9], [sflag:$0x1] =	stream.indirect.gather [hbm4b:s2+s8], $0x80, s26, s8, $0xb8;
	[tilespmem:$0xC400] =	vst v63  }
0x3c: {  	_ =	swait.ge [sflag:s19], $0x4000  }
0x3d: {  	[sflag:s19] =	ssyncset.done $0x0  }
0x3e: {  	s28 =	sadd.s32 s31, s28;
	[sflag:s19] =	ssyncadd.s32 $0xFFFFC000  }
0x3f: {  	[hbm4b:s28+s4] =	stream.linear.scatter [tilespmem:s14], [sflag:$0x6], $0x4000, $0x38;
	[tilespmem:$0xC400] =	vst v63  }
0x40: {  	_ =	swait.ge [sflag:s20], $0x4000  }
0x41: {  	[sflag:s20] =	ssyncset.done $0x0  }
0x42: {  	s29 =	simm.s32 $0x380;
	[sflag:s20] =	ssyncadd.s32 $0xFFFFC000  }
0x43: {  	[tilespmem:s10], [sflag:$0x2] =	stream.indirect.gather [hbm4b:s2+s8], $0x80, s29, s8, $0xb8;
	[tilespmem:$0xC400] =	vst v63  }
0x44: {  	_ =	swait.ge [sflag:s11], $0x4000  }
0x45: {  	[sflag:s11] =	ssyncset.done $0x0  }
0x46: {  	s30 =	sadd.s32 s31, s30;
	[sflag:s11] =	ssyncadd.s32 $0xFFFFC000  }
0x47: {  	[hbm4b:s30+s4] =	stream.linear.scatter [tilespmem:s9], [sflag:$0x4], $0x4000, $0x38;
	[tilespmem:$0xC400] =	vst v63  }
0x48: {  	s31 =	sadd.s32 s31, s0;
	s0 =	ssub.s32 $0x2, s3;
	_ =	swait.ge [sflag:s15], $0x4000  }
0x49: {  	s3 =	sshrl.u32 s0, $0x1;
	[sflag:s15] =	ssyncset.done $0x0  }
0x4a: {  	s0 =	ssub.s32 s0, s3;
	[sflag:s15] =	ssyncadd.s32 $0xFFFFC000  }
0x4b: {  	[hbm4b:s31+s4] =	stream.linear.scatter [tilespmem:s10], [sflag:$0x5], $0x4000, $0x38;
	[tilespmem:$0xC400] =	vst v63  }
0x4c: {  	s0 =	smax.u32 s0, $0x1;
	_ =	swait.ge [sflag:s23], $0x4000  }
0x4d: {  	p0 =	sne.s32 s0, $0x1;
	[sflag:s23] =	ssyncset.done $0x0  }
.Ltmp0:
0x4e: {  	[sflag:s23] =	ssyncadd.s32 $0xFFFFC000;
	(pc) =	sbr.rel @!p0 .LBB2_2-.Ltmp0, $4  }
0x4f: {  	_ =	swait.ge [sflag:s17], $0x4000  }
0x50: {  	[sflag:s17] =	ssyncset.done $0x0  }
0x51: {  	[sflag:s17] =	ssyncadd.s32 $0xFFFFC000  }
0x52: {  	s3 =	sadd.s32 $0xFFFFFFFF, s0;
	_ =	swait.ge [sflag:s20], $0x4000  }
.LBB2_1:
0x53: {  	[sflag:s20] =	ssyncset.done $0x0  }
0x54: {  	s0 =	rddreg [dreg:$0x7];
	[sflag:s20] =	ssyncadd.s32 $0xFFFFC000  }
0x55: {  	[tilespmem:s4], [sflag:$0x7] =	stream.linear.gather [hbm4b:s0+s4], $0x200, $0x38;
	[tilespmem:$0xC400] =	vst v63  }
0x56: {  	_ = 	snop  }
0x57: {  	[tilespmem:s6], [sflag:$0x7] =	stream.linear.gather [hbm4b:s5+s4], $0x200, $0x38;
	[tilespmem:$0xC400] =	vst v63  }
0x58: {  	_ =	swait.ge [sflag:s7], $0x200  }
0x59: {  	[sflag:s7] =	ssyncset.done $0x0  }
0x5a: {  	[sflag:s7] =	ssyncadd.s32 $0xFFFFFE00  }
0x5b: {  	_ =	swait.ge [sflag:s7], $0x200  }
0x5c: {  	[sflag:s7] =	ssyncset.done $0x0  }
0x5d: {  	[sflag:s7] =	ssyncadd.s32 $0xFFFFFE00  }
0x5e: {  	[tilespmem:s9], [sflag:$0x1] =	stream.indirect.gather [hbm4b:s1+s8], $0x80, s4, s8, $0xb8;
	[tilespmem:$0xC400] =	vst v63  }
0x5f: {  	_ = 	snop  }
0x60: {  	[tilespmem:s10], [sflag:$0x2] =	stream.indirect.gather [hbm4b:s1+s8], $0x80, s8, s8, $0xb8;
	[tilespmem:$0xC400] =	vst v63  }
0x61: {  	_ =	swait.ge [sflag:s11], $0x4000  }
0x62: {  	[sflag:s11] =	ssyncset.done $0x0  }
0x63: {  	[sflag:s11] =	ssyncadd.s32 $0xFFFFC000  }
0x64: {  	[hbm4b:s12+s4] =	stream.linear.scatter [tilespmem:s9], [sflag:$0x4], $0x4000, $0x38;
	[tilespmem:$0xC400] =	vst v63  }
0x65: {  	_ = 	snop  }
0x66: {  	[tilespmem:s14], [sflag:$0x3] =	stream.indirect.gather [hbm4b:s1+s8], $0x80, s13, s8, $0xb8;
	[tilespmem:$0xC400] =	vst v63  }
0x67: {  	_ =	swait.ge [sflag:s15], $0x4000  }
0x68: {  	[sflag:s15] =	ssyncset.done $0x0  }
0x69: {  	[sflag:s15] =	ssyncadd.s32 $0xFFFFC000  }
0x6a: {  	[hbm4b:s16+s4] =	stream.linear.scatter [tilespmem:s10], [sflag:$0x5], $0x4000, $0x38;
	[tilespmem:$0xC400] =	vst v63  }
0x6b: {  	_ =	swait.ge [sflag:s17], $0x4000  }
0x6c: {  	[sflag:s17] =	ssyncset.done $0x0  }
0x6d: {  	[sflag:s17] =	ssyncadd.s32 $0xFFFFC000  }
0x6e: {  	[tilespmem:s9], [sflag:$0x1] =	stream.indirect.gather [hbm4b:s1+s8], $0x80, s18, s8, $0xb8;
	[tilespmem:$0xC400] =	vst v63  }
0x6f: {  	_ =	swait.ge [sflag:s19], $0x4000  }
0x70: {  	[sflag:s19] =	ssyncset.done $0x0  }
0x71: {  	[sflag:s19] =	ssyncadd.s32 $0xFFFFC000  }
0x72: {  	[hbm4b:s21+s4] =	stream.linear.scatter [tilespmem:s14], [sflag:$0x6], $0x4000, $0x38;
	[tilespmem:$0xC400] =	vst v63  }
0x73: {  	_ =	swait.ge [sflag:s20], $0x4000  }
0x74: {  	[sflag:s20] =	ssyncset.done $0x0  }
0x75: {  	[sflag:s20] =	ssyncadd.s32 $0xFFFFC000  }
0x76: {  	[tilespmem:s10], [sflag:$0x2] =	stream.indirect.gather [hbm4b:s2+s8], $0x80, s6, s8, $0xb8;
	[tilespmem:$0xC400] =	vst v63  }
0x77: {  	_ =	swait.ge [sflag:s11], $0x4000  }
0x78: {  	[sflag:s11] =	ssyncset.done $0x0  }
0x79: {  	[sflag:s11] =	ssyncadd.s32 $0xFFFFC000  }
0x7a: {  	[hbm4b:s22+s4] =	stream.linear.scatter [tilespmem:s9], [sflag:$0x4], $0x4000, $0x38;
	[tilespmem:$0xC400] =	vst v63  }
0x7b: {  	_ =	swait.ge [sflag:s23], $0x4000  }
0x7c: {  	[sflag:s23] =	ssyncset.done $0x0  }
0x7d: {  	[sflag:s23] =	ssyncadd.s32 $0xFFFFC000  }
0x7e: {  	[tilespmem:s14], [sflag:$0x3] =	stream.indirect.gather [hbm4b:s2+s8], $0x80, s24, s8, $0xb8;
	[tilespmem:$0xC400] =	vst v63  }
0x7f: {  	_ =	swait.ge [sflag:s15], $0x4000  }
0x80: {  	[sflag:s15] =	ssyncset.done $0x0  }
0x81: {  	[sflag:s15] =	ssyncadd.s32 $0xFFFFC000  }
0x82: {  	[hbm4b:s25+s4] =	stream.linear.scatter [tilespmem:s10], [sflag:$0x5], $0x4000, $0x38;
	[tilespmem:$0xC400] =	vst v63  }
0x83: {  	_ =	swait.ge [sflag:s17], $0x4000  }
0x84: {  	[sflag:s17] =	ssyncset.done $0x0  }
0x85: {  	[sflag:s17] =	ssyncadd.s32 $0xFFFFC000  }
0x86: {  	[tilespmem:s9], [sflag:$0x1] =	stream.indirect.gather [hbm4b:s2+s8], $0x80, s26, s8, $0xb8;
	[tilespmem:$0xC400] =	vst v63  }
0x87: {  	_ =	swait.ge [sflag:s19], $0x4000  }
0x88: {  	[sflag:s19] =	ssyncset.done $0x0  }
0x89: {  	[sflag:s19] =	ssyncadd.s32 $0xFFFFC000  }
0x8a: {  	[hbm4b:s28+s4] =	stream.linear.scatter [tilespmem:s14], [sflag:$0x6], $0x4000, $0x38;
	[tilespmem:$0xC400] =	vst v63  }
0x8b: {  	_ =	swait.ge [sflag:s20], $0x4000  }
0x8c: {  	[sflag:s20] =	ssyncset.done $0x0  }
0x8d: {  	[sflag:s20] =	ssyncadd.s32 $0xFFFFC000  }
0x8e: {  	[tilespmem:s10], [sflag:$0x2] =	stream.indirect.gather [hbm4b:s2+s8], $0x80, s29, s8, $0xb8;
	[tilespmem:$0xC400] =	vst v63  }
0x8f: {  	_ =	swait.ge [sflag:s11], $0x4000  }
0x90: {  	[sflag:s11] =	ssyncset.done $0x0  }
0x91: {  	[sflag:s11] =	ssyncadd.s32 $0xFFFFC000  }
0x92: {  	[hbm4b:s30+s4] =	stream.linear.scatter [tilespmem:s9], [sflag:$0x4], $0x4000, $0x38;
	[tilespmem:$0xC400] =	vst v63  }
0x93: {  	_ =	swait.ge [sflag:s15], $0x4000  }
0x94: {  	[sflag:s15] =	ssyncset.done $0x0  }
0x95: {  	[sflag:s15] =	ssyncadd.s32 $0xFFFFC000  }
0x96: {  	[hbm4b:s31+s4] =	stream.linear.scatter [tilespmem:s10], [sflag:$0x5], $0x4000, $0x38;
	[tilespmem:$0xC400] =	vst v63  }
0x97: {  	_ =	swait.ge [sflag:s23], $0x4000  }
0x98: {  	p0 =	sne.s32 s3, $0x1;
	[sflag:s23] =	ssyncset.done $0x0  }
.Ltmp1:
0x99: {  	[sflag:s23] =	ssyncadd.s32 $0xFFFFC000;
	(pc) =	sbr.rel @p0 .LBB2_1-.Ltmp1, $4  }
0x9a: {  	_ =	swait.ge [sflag:s17], $0x4000  }
0x9b: {  	[sflag:s17] =	ssyncset.done $0x0  }
0x9c: {  	[sflag:s17] =	ssyncadd.s32 $0xFFFFC000  }
0x9d: {  	s3 =	sadd.s32 $0xFFFFFFFF, s3;
	_ =	swait.ge [sflag:s20], $0x4000  }
.LBB2_2:
0x9e: {  	[sflag:s20] =	ssyncset.done $0x0  }
0x9f: {  	[sflag:s20] =	ssyncadd.s32 $0xFFFFC000  }
0xa0: {  	_ =	sfence.sel $0x180000  }
0xa1: {  	[bflag:$0x0] =	sbarrier.arrive $0xFFFF  }
0xa2: {  	_ =	strace $0x90000047  }
0xa3: {  	s0 =	stileid.u32;
	[bflag:$0x2] =	sbarrier.arrive $0xFFFF  }
0xa4: {  	p0 =	sne.s32 s0, $0x0;
	s0 =	rddreg [dreg:$0x6]  }
0xa5: {  	s0 =	sadd.s32 @!p0 $0x100000, s0  }
0xa6: {  	[sflag:s0] =	ssyncadd.tile.s32 @!p0 $0x1;
	_ =	shalt  }
.Lfunc_end2:
_tile_overlayer_lowered:
.L_overlay_start_2:
0xa7: {  	(tag) =	ssettag $0x2  }
0xa8: {  	s0 =	rddreg [dreg:$0x0];
	s2 =	stileid.u32  }
0xa9: {  	s1 =	rddreg [dreg:$0x1];
	p0 =	sne.s32 s2, $0x0  }
0xaa: {  	s3 =	rddreg [dreg:$0x2];
	[bflag:$0x3] =	sbarrier.arrive $0xFFFF;
	s2 =	simm.s32 @!p0 $0x1C08  }
0xab: {  	[timem:s3], [sflag:s2] =	dma.local @!p0 [hbm:s0], s1  }
0xac: {  	s0 =	simm.s32 @!p0 $0x8  }
0xad: {  	_ =	swait.ge @!p0 [sflag:s0], s1  }
0xae: {  	s1 =	ssub.s32 @!p0 $0x0, s1;
	[sflag:s0] =	ssyncset.done @!p0 $0x0  }
0xaf: {  	[sflag:s0] =	ssyncadd.s32 @!p0 s1  }
0xb0: {  	[bflag:$0x3] =	sbarrier.arrive $0xFFFF  }
0xb1: {  	_ =	shalt  }

</sc_bundles>
